<compile_context>
chip_gen: v7x
topology: tpu7x:2x2x1
jax: 0.10.2.dev20260603
libtpu: 0.0.44.dev20260713+nightly
codegen_flags: <defaults>
</compile_context>

<pallas_src>
import functools

import jax
import jax.numpy as jnp
from jax import lax
from jax.experimental import pallas as pl
from jax.experimental.pallas import tpu as pltpu
from jax.experimental.pallas import tpu_sc as plsc

N_TOK = 18432
N_EMB = 8192
DIM = 64
TM = 512
TN = 1024
NI = N_TOK // TM
NJ = N_EMB // TN
LOSS_SCALE = 0.25 / (N_TOK * DIM)

NC = 2
NS = 16
NW = NC * NS
B_PER_W = N_TOK // NW
IDX_CHUNK = 96
N_CHUNK = B_PER_W // IDX_CHUNK


def _argmin_body(z_ref, z2_ref, e_ref, e2_ref, idx_ref, loss_ref, minv_ref):
    i = pl.program_id(0)
    j = pl.program_id(1)
    nt = (((1,), (1,)), ((), ()))
    dot = lax.dot_general(z_ref[...], e_ref[...], nt,
                          preferred_element_type=jnp.float32)
    scores = (z2_ref[...] - 2.0 * dot) + e2_ref[...]
    tile_min = jnp.min(scores, axis=1, keepdims=True)
    cols = lax.broadcasted_iota(jnp.int32, (TM, TN), 1) + j * TN
    tile_arg = jnp.min(
        jnp.where(scores <= tile_min, cols, jnp.int32(2**30)),
        axis=1, keepdims=True)

    @pl.when(j == 0)
    def _():
        minv_ref[...] = tile_min
        idx_ref[...] = tile_arg

    @pl.when(j > 0)
    def _():
        better = tile_min < minv_ref[...]
        idx_ref[...] = jnp.where(better, tile_arg, idx_ref[...])
        minv_ref[...] = jnp.where(better, tile_min, minv_ref[...])

    @pl.when(j == NJ - 1)
    def _():
        tile_loss = jnp.sum(minv_ref[...], keepdims=True)
        prev = jnp.where(i == 0, jnp.zeros((1, 1), jnp.float32), loss_ref[...])
        acc = prev + tile_loss
        loss_ref[...] = jnp.where(i == NI - 1, acc * LOSS_SCALE, acc)


_argmin_call = pl.pallas_call(
    _argmin_body,
    grid=(NI, NJ),
    in_specs=[
        pl.BlockSpec((TM, 2 * DIM), lambda i, j: (i, 0)),
        pl.BlockSpec((TM, 1), lambda i, j: (i, 0)),
        pl.BlockSpec((TN, 2 * DIM), lambda i, j: (j, 0)),
        pl.BlockSpec((1, TN), lambda i, j: (0, j)),
    ],
    out_specs=[
        pl.BlockSpec((TM, 1), lambda i, j: (i, 0)),
        pl.BlockSpec((1, 1), lambda i, j: (0, 0)),
    ],
    out_shape=[
        jax.ShapeDtypeStruct((N_TOK, 1), jnp.int32),
        jax.ShapeDtypeStruct((1, 1), jnp.float32),
    ],
    scratch_shapes=[pltpu.VMEM((TM, 1), jnp.float32)],
)


def _gather_body(emb_hbm, idx_hbm, out_hbm, idx_v, rows_v, sem):
    wid = lax.axis_index("s") * NC + lax.axis_index("c")
    base = pl.multiple_of(wid * B_PER_W, 8)
    for c in range(N_CHUNK):
        pltpu.sync_copy(idx_hbm.at[pl.ds(base + c * IDX_CHUNK, IDX_CHUNK)],
                        idx_v.at[c])
    copies = [
        pltpu.async_copy(emb_hbm.at[idx_v.at[c]],
                         rows_v.at[pl.ds(c * IDX_CHUNK, IDX_CHUNK)], sem)
        for c in range(N_CHUNK)
    ]
    for cp in copies:
        cp.wait()
    pltpu.sync_copy(rows_v, out_hbm.at[pl.ds(base, B_PER_W)])


@functools.cache
def _gather_call():
    return pl.kernel(
        _gather_body,
        out_type=jax.ShapeDtypeStruct((N_TOK, DIM), jnp.float32),
        mesh=plsc.VectorSubcoreMesh(
            core_axis_name="c", subcore_axis_name="s",
            num_cores=NC, num_subcores=NS),
        scratch_types=[
            pltpu.VMEM((N_CHUNK, IDX_CHUNK), jnp.int32),
            pltpu.VMEM((B_PER_W, DIM), jnp.float32),
            pltpu.SemaphoreType.DMA,
        ],
        compiler_params=pltpu.CompilerParams(use_tc_tiling_on_sc=False),
    )


def kernel(z, embedding):
    z2 = jnp.sum(z * z, axis=-1, keepdims=True)
    e2 = jnp.sum(embedding * embedding, axis=-1)[None, :]
    zp = jnp.pad(z, ((0, 0), (0, DIM)))
    ep = jnp.pad(embedding, ((0, 0), (0, DIM)))
    idx2d, loss11 = _argmin_call(zp, z2, ep, e2)
    indices = idx2d[:, 0]
    quantized = _gather_call()(embedding, indices)
    quantized_st = z + (quantized - z)
    return quantized_st, indices, loss11[0, 0]

# --- scband reference (transcript-rebuilt; emitter-appended) ---
"""Pipeline reference for scband-vector-quantizer-45174466020056 (READ-ONLY COPY).

The authoritative reference and input builder live on the scoring server;
editing this copy changes nothing except your own understanding.
"""

import jax, jax.numpy as jnp
import numpy as np

NUM_EMBEDDINGS = 8192
EMBEDDING_DIM = 64
N_TOKENS = 18432
COMMITMENT_COST = 0.25


def setup_inputs(seed: int = 0) -> dict:
    key = jax.random.key(seed)
    k1, k2 = jax.random.split(key)
    z = jax.random.normal(k1, (N_TOKENS, EMBEDDING_DIM), dtype=jnp.float32)
    # kmeans_init=False path: uniform(-1/K, 1/K) init of the codebook
    embedding = jax.random.uniform(
        k2, (NUM_EMBEDDINGS, EMBEDDING_DIM), dtype=jnp.float32,
        minval=-1.0 / NUM_EMBEDDINGS, maxval=1.0 / NUM_EMBEDDINGS)
    return {"z": z, "embedding": embedding}


def reference(z, embedding):
    # Eval-mode forward, use_cosine=False, use_projection=False, use_ema=True
    # distances = ||z||^2 - 2 z E^T + ||e||^2
    distances = (jnp.sum(z * z, axis=-1, keepdims=True)
                 - 2.0 * (z @ embedding.T)
                 + jnp.sum(embedding * embedding, axis=-1))
    indices = jnp.argmin(distances, axis=-1)
    quantized = jnp.take(embedding, indices, axis=0)
    # EMA branch: only commitment loss
    commitment_loss = jnp.mean((z - jax.lax.stop_gradient(quantized)) ** 2)
    loss = COMMITMENT_COST * commitment_loss
    # Straight-through estimator
    quantized_st = z + jax.lax.stop_gradient(quantized - z)
    return quantized_st, indices, loss

if __name__ == "__main__":
    import jax
    _d = setup_inputs()
    print(jax.jit(kernel)(*tuple(_d.values())))

</pallas_src>

<mosaic_0001>
#map = affine_map<(d0, d1) -> (0, 0)>
#map1 = affine_map<(d0, d1) -> (0)>
module attributes {stable_mosaic.version = 14 : i64} {
  func.func @_gather_body(%arg0: i32, %arg1: i32, %arg2: memref<8192x64xf32, #tpu.memory_space<hbm>>, %arg3: memref<18432xi32, #tpu.memory_space<hbm>>, %arg4: memref<18432x64xf32, #tpu.memory_space<hbm>>, %arg5: memref<6x96xi32, #tpu.memory_space<vmem>>, %arg6: memref<576x64xf32, #tpu.memory_space<vmem>>, %arg7: memref<!tpu.dma_semaphore, #tpu.memory_space<semaphore_mem>>) attributes {dimension_semantics = [#tpu.dimension_semantics<core_parallel>, #tpu.dimension_semantics<subcore_parallel>], iteration_bounds = array<i64: 2, 16>, scalar_prefetch = 0 : i64, scratch_operands = 3 : i64, tpu.core_type = #tpu.core_type<sc_vector_subcore>, window_params = [{transform_indices = #map}, {transform_indices = #map1}, {transform_indices = #map}]} {
    %mul3A = arith.constant 2 : i32
    %mul3A_0 = arith.muli %arg1, %mul3A : i32
    %add3A = arith.addi %mul3A_0, %arg0 : i32
    %mul3A_1 = arith.constant 576 : i32
    %mul3A_2 = arith.muli %add3A, %mul3A_1 : i32
    %multiple_of3A = tpu.assume_multiple %mul3A_2, 8 : i32
    %add3A_3 = arith.constant 0 : i32
    %add3A_4 = arith.addi %multiple_of3A, %add3A_3 : i32
    %run_scoped3A = arith.constant 0 : i32
    "tpu.region"() ({
      %run_scoped3A_138 = tpu.sem_alloc : memref<!tpu.dma_semaphore, #tpu.memory_space<semaphore_mem>>
      %dma_start3A_139 = arith.constant 0 : i32
      %dma_start3A_140 = tpu.memref_slice %arg5[%run_scoped3A, %dma_start3A_139] : memref<6x96xi32, #tpu.memory_space<vmem>> -> memref<1x96xi32, #tpu.memory_space<vmem>>
      %dma_start3A_141 = tpu.memref_squeeze %dma_start3A_140 : memref<1x96xi32, #tpu.memory_space<vmem>> -> memref<96xi32, #tpu.memory_space<vmem>>
      %dma_start3A_142 = tpu.memref_slice %arg3[%add3A_4] : memref<18432xi32, #tpu.memory_space<hbm>> -> memref<96xi32, #tpu.memory_space<hbm>>
      %dma_start3A_143 = arith.constant 0 : i32
      %dma_start3A_144 = tpu.memref_slice %arg5[%run_scoped3A, %dma_start3A_143] : memref<6x96xi32, #tpu.memory_space<vmem>> -> memref<1x96xi32, #tpu.memory_space<vmem>>
      %dma_start3A_145 = tpu.memref_squeeze %dma_start3A_144 : memref<1x96xi32, #tpu.memory_space<vmem>> -> memref<96xi32, #tpu.memory_space<vmem>>
      %dma_start3A_146 = tpu.memref_slice %arg3[%add3A_4] : memref<18432xi32, #tpu.memory_space<hbm>> -> memref<96xi32, #tpu.memory_space<hbm>>
      tpu.enqueue_dma source(%dma_start3A_146 : memref<96xi32, #tpu.memory_space<hbm>>) target(%dma_start3A_145 : memref<96xi32, #tpu.memory_space<vmem>>) target_semaphore(%run_scoped3A_138 : memref<!tpu.dma_semaphore, #tpu.memory_space<semaphore_mem>>)
      %dma_wait3A_147 = arith.constant 0 : i32
      %dma_wait3A_148 = tpu.memref_slice %arg5[%run_scoped3A, %dma_wait3A_147] : memref<6x96xi32, #tpu.memory_space<vmem>> -> memref<1x96xi32, #tpu.memory_space<vmem>>
      %dma_wait3A_149 = tpu.memref_squeeze %dma_wait3A_148 : memref<1x96xi32, #tpu.memory_space<vmem>> -> memref<96xi32, #tpu.memory_space<vmem>>
      %dma_wait3A_150 = tpu.memref_slice %arg3[%add3A_4] : memref<18432xi32, #tpu.memory_space<hbm>> -> memref<96xi32, #tpu.memory_space<hbm>>
      %dma_wait3A_151 = arith.constant 0 : i32
      %dma_wait3A_152 = tpu.memref_slice %arg5[%run_scoped3A, %dma_wait3A_151] : memref<6x96xi32, #tpu.memory_space<vmem>> -> memref<1x96xi32, #tpu.memory_space<vmem>>
      %dma_wait3A_153 = tpu.memref_squeeze %dma_wait3A_152 : memref<1x96xi32, #tpu.memory_space<vmem>> -> memref<96xi32, #tpu.memory_space<vmem>>
      %dma_wait3A_154 = tpu.memref_slice %arg3[%add3A_4] : memref<18432xi32, #tpu.memory_space<hbm>> -> memref<96xi32, #tpu.memory_space<hbm>>
      tpu.wait_dma2 semaphore(%run_scoped3A_138 : memref<!tpu.dma_semaphore, #tpu.memory_space<semaphore_mem>>) src(%dma_wait3A_154 : memref<96xi32, #tpu.memory_space<hbm>>) dst(%dma_wait3A_153 : memref<96xi32, #tpu.memory_space<vmem>>)
      tpu.yield
    }) : () -> ()
    %add3A_5 = arith.constant 96 : i32
    %add3A_6 = arith.addi %multiple_of3A, %add3A_5 : i32
    %run_scoped3A_7 = arith.constant 1 : i32
    "tpu.region"() ({
      %run_scoped3A_138 = tpu.sem_alloc : memref<!tpu.dma_semaphore, #tpu.memory_space<semaphore_mem>>
      %dma_start3A_139 = arith.constant 0 : i32
      %dma_start3A_140 = tpu.memref_slice %arg5[%run_scoped3A_7, %dma_start3A_139] : memref<6x96xi32, #tpu.memory_space<vmem>> -> memref<1x96xi32, #tpu.memory_space<vmem>>
      %dma_start3A_141 = tpu.memref_squeeze %dma_start3A_140 : memref<1x96xi32, #tpu.memory_space<vmem>> -> memref<96xi32, #tpu.memory_space<vmem>>
      %dma_start3A_142 = tpu.memref_slice %arg3[%add3A_6] : memref<18432xi32, #tpu.memory_space<hbm>> -> memref<96xi32, #tpu.memory_space<hbm>>
      %dma_start3A_143 = arith.constant 0 : i32
      %dma_start3A_144 = tpu.memref_slice %arg5[%run_scoped3A_7, %dma_start3A_143] : memref<6x96xi32, #tpu.memory_space<vmem>> -> memref<1x96xi32, #tpu.memory_space<vmem>>
      %dma_start3A_145 = tpu.memref_squeeze %dma_start3A_144 : memref<1x96xi32, #tpu.memory_space<vmem>> -> memref<96xi32, #tpu.memory_space<vmem>>
      %dma_start3A_146 = tpu.memref_slice %arg3[%add3A_6] : memref<18432xi32, #tpu.memory_space<hbm>> -> memref<96xi32, #tpu.memory_space<hbm>>
      tpu.enqueue_dma source(%dma_start3A_146 : memref<96xi32, #tpu.memory_space<hbm>>) target(%dma_start3A_145 : memref<96xi32, #tpu.memory_space<vmem>>) target_semaphore(%run_scoped3A_138 : memref<!tpu.dma_semaphore, #tpu.memory_space<semaphore_mem>>)
      %dma_wait3A_147 = arith.constant 0 : i32
      %dma_wait3A_148 = tpu.memref_slice %arg5[%run_scoped3A_7, %dma_wait3A_147] : memref<6x96xi32, #tpu.memory_space<vmem>> -> memref<1x96xi32, #tpu.memory_space<vmem>>
      %dma_wait3A_149 = tpu.memref_squeeze %dma_wait3A_148 : memref<1x96xi32, #tpu.memory_space<vmem>> -> memref<96xi32, #tpu.memory_space<vmem>>
      %dma_wait3A_150 = tpu.memref_slice %arg3[%add3A_6] : memref<18432xi32, #tpu.memory_space<hbm>> -> memref<96xi32, #tpu.memory_space<hbm>>
      %dma_wait3A_151 = arith.constant 0 : i32
      %dma_wait3A_152 = tpu.memref_slice %arg5[%run_scoped3A_7, %dma_wait3A_151] : memref<6x96xi32, #tpu.memory_space<vmem>> -> memref<1x96xi32, #tpu.memory_space<vmem>>
      %dma_wait3A_153 = tpu.memref_squeeze %dma_wait3A_152 : memref<1x96xi32, #tpu.memory_space<vmem>> -> memref<96xi32, #tpu.memory_space<vmem>>
      %dma_wait3A_154 = tpu.memref_slice %arg3[%add3A_6] : memref<18432xi32, #tpu.memory_space<hbm>> -> memref<96xi32, #tpu.memory_space<hbm>>
      tpu.wait_dma2 semaphore(%run_scoped3A_138 : memref<!tpu.dma_semaphore, #tpu.memory_space<semaphore_mem>>) src(%dma_wait3A_154 : memref<96xi32, #tpu.memory_space<hbm>>) dst(%dma_wait3A_153 : memref<96xi32, #tpu.memory_space<vmem>>)
      tpu.yield
    }) : () -> ()
    %add3A_8 = arith.constant 192 : i32
    %add3A_9 = arith.addi %multiple_of3A, %add3A_8 : i32
    %run_scoped3A_10 = arith.constant 2 : i32
    "tpu.region"() ({
      %run_scoped3A_138 = tpu.sem_alloc : memref<!tpu.dma_semaphore, #tpu.memory_space<semaphore_mem>>
      %dma_start3A_139 = arith.constant 0 : i32
      %dma_start3A_140 = tpu.memref_slice %arg5[%run_scoped3A_10, %dma_start3A_139] : memref<6x96xi32, #tpu.memory_space<vmem>> -> memref<1x96xi32, #tpu.memory_space<vmem>>
      %dma_start3A_141 = tpu.memref_squeeze %dma_start3A_140 : memref<1x96xi32, #tpu.memory_space<vmem>> -> memref<96xi32, #tpu.memory_space<vmem>>
      %dma_start3A_142 = tpu.memref_slice %arg3[%add3A_9] : memref<18432xi32, #tpu.memory_space<hbm>> -> memref<96xi32, #tpu.memory_space<hbm>>
      %dma_start3A_143 = arith.constant 0 : i32
      %dma_start3A_144 = tpu.memref_slice %arg5[%run_scoped3A_10, %dma_start3A_143] : memref<6x96xi32, #tpu.memory_space<vmem>> -> memref<1x96xi32, #tpu.memory_space<vmem>>
      %dma_start3A_145 = tpu.memref_squeeze %dma_start3A_144 : memref<1x96xi32, #tpu.memory_space<vmem>> -> memref<96xi32, #tpu.memory_space<vmem>>
      %dma_start3A_146 = tpu.memref_slice %arg3[%add3A_9] : memref<18432xi32, #tpu.memory_space<hbm>> -> memref<96xi32, #tpu.memory_space<hbm>>
      tpu.enqueue_dma source(%dma_start3A_146 : memref<96xi32, #tpu.memory_space<hbm>>) target(%dma_start3A_145 : memref<96xi32, #tpu.memory_space<vmem>>) target_semaphore(%run_scoped3A_138 : memref<!tpu.dma_semaphore, #tpu.memory_space<semaphore_mem>>)
      %dma_wait3A_147 = arith.constant 0 : i32
      %dma_wait3A_148 = tpu.memref_slice %arg5[%run_scoped3A_10, %dma_wait3A_147] : memref<6x96xi32, #tpu.memory_space<vmem>> -> memref<1x96xi32, #tpu.memory_space<vmem>>
      %dma_wait3A_149 = tpu.memref_squeeze %dma_wait3A_148 : memref<1x96xi32, #tpu.memory_space<vmem>> -> memref<96xi32, #tpu.memory_space<vmem>>
      %dma_wait3A_150 = tpu.memref_slice %arg3[%add3A_9] : memref<18432xi32, #tpu.memory_space<hbm>> -> memref<96xi32, #tpu.memory_space<hbm>>
      %dma_wait3A_151 = arith.constant 0 : i32
      %dma_wait3A_152 = tpu.memref_slice %arg5[%run_scoped3A_10, %dma_wait3A_151] : memref<6x96xi32, #tpu.memory_space<vmem>> -> memref<1x96xi32, #tpu.memory_space<vmem>>
      %dma_wait3A_153 = tpu.memref_squeeze %dma_wait3A_152 : memref<1x96xi32, #tpu.memory_space<vmem>> -> memref<96xi32, #tpu.memory_space<vmem>>
      %dma_wait3A_154 = tpu.memref_slice %arg3[%add3A_9] : memref<18432xi32, #tpu.memory_space<hbm>> -> memref<96xi32, #tpu.memory_space<hbm>>
      tpu.wait_dma2 semaphore(%run_scoped3A_138 : memref<!tpu.dma_semaphore, #tpu.memory_space<semaphore_mem>>) src(%dma_wait3A_154 : memref<96xi32, #tpu.memory_space<hbm>>) dst(%dma_wait3A_153 : memref<96xi32, #tpu.memory_space<vmem>>)
      tpu.yield
    }) : () -> ()
    %add3A_11 = arith.constant 288 : i32
    %add3A_12 = arith.addi %multiple_of3A, %add3A_11 : i32
    %run_scoped3A_13 = arith.constant 3 : i32
    "tpu.region"() ({
      %run_scoped3A_138 = tpu.sem_alloc : memref<!tpu.dma_semaphore, #tpu.memory_space<semaphore_mem>>
      %dma_start3A_139 = arith.constant 0 : i32
      %dma_start3A_140 = tpu.memref_slice %arg5[%run_scoped3A_13, %dma_start3A_139] : memref<6x96xi32, #tpu.memory_space<vmem>> -> memref<1x96xi32, #tpu.memory_space<vmem>>
      %dma_start3A_141 = tpu.memref_squeeze %dma_start3A_140 : memref<1x96xi32, #tpu.memory_space<vmem>> -> memref<96xi32, #tpu.memory_space<vmem>>
      %dma_start3A_142 = tpu.memref_slice %arg3[%add3A_12] : memref<18432xi32, #tpu.memory_space<hbm>> -> memref<96xi32, #tpu.memory_space<hbm>>
      %dma_start3A_143 = arith.constant 0 : i32
      %dma_start3A_144 = tpu.memref_slice %arg5[%run_scoped3A_13, %dma_start3A_143] : memref<6x96xi32, #tpu.memory_space<vmem>> -> memref<1x96xi32, #tpu.memory_space<vmem>>
      %dma_start3A_145 = tpu.memref_squeeze %dma_start3A_144 : memref<1x96xi32, #tpu.memory_space<vmem>> -> memref<96xi32, #tpu.memory_space<vmem>>
      %dma_start3A_146 = tpu.memref_slice %arg3[%add3A_12] : memref<18432xi32, #tpu.memory_space<hbm>> -> memref<96xi32, #tpu.memory_space<hbm>>
      tpu.enqueue_dma source(%dma_start3A_146 : memref<96xi32, #tpu.memory_space<hbm>>) target(%dma_start3A_145 : memref<96xi32, #tpu.memory_space<vmem>>) target_semaphore(%run_scoped3A_138 : memref<!tpu.dma_semaphore, #tpu.memory_space<semaphore_mem>>)
      %dma_wait3A_147 = arith.constant 0 : i32
      %dma_wait3A_148 = tpu.memref_slice %arg5[%run_scoped3A_13, %dma_wait3A_147] : memref<6x96xi32, #tpu.memory_space<vmem>> -> memref<1x96xi32, #tpu.memory_space<vmem>>
      %dma_wait3A_149 = tpu.memref_squeeze %dma_wait3A_148 : memref<1x96xi32, #tpu.memory_space<vmem>> -> memref<96xi32, #tpu.memory_space<vmem>>
      %dma_wait3A_150 = tpu.memref_slice %arg3[%add3A_12] : memref<18432xi32, #tpu.memory_space<hbm>> -> memref<96xi32, #tpu.memory_space<hbm>>
      %dma_wait3A_151 = arith.constant 0 : i32
      %dma_wait3A_152 = tpu.memref_slice %arg5[%run_scoped3A_13, %dma_wait3A_151] : memref<6x96xi32, #tpu.memory_space<vmem>> -> memref<1x96xi32, #tpu.memory_space<vmem>>
      %dma_wait3A_153 = tpu.memref_squeeze %dma_wait3A_152 : memref<1x96xi32, #tpu.memory_space<vmem>> -> memref<96xi32, #tpu.memory_space<vmem>>
      %dma_wait3A_154 = tpu.memref_slice %arg3[%add3A_12] : memref<18432xi32, #tpu.memory_space<hbm>> -> memref<96xi32, #tpu.memory_space<hbm>>
      tpu.wait_dma2 semaphore(%run_scoped3A_138 : memref<!tpu.dma_semaphore, #tpu.memory_space<semaphore_mem>>) src(%dma_wait3A_154 : memref<96xi32, #tpu.memory_space<hbm>>) dst(%dma_wait3A_153 : memref<96xi32, #tpu.memory_space<vmem>>)
      tpu.yield
    }) : () -> ()
    %add3A_14 = arith.constant 384 : i32
    %add3A_15 = arith.addi %multiple_of3A, %add3A_14 : i32
    %run_scoped3A_16 = arith.constant 4 : i32
    "tpu.region"() ({
      %run_scoped3A_138 = tpu.sem_alloc : memref<!tpu.dma_semaphore, #tpu.memory_space<semaphore_mem>>
      %dma_start3A_139 = arith.constant 0 : i32
      %dma_start3A_140 = tpu.memref_slice %arg5[%run_scoped3A_16, %dma_start3A_139] : memref<6x96xi32, #tpu.memory_space<vmem>> -> memref<1x96xi32, #tpu.memory_space<vmem>>
      %dma_start3A_141 = tpu.memref_squeeze %dma_start3A_140 : memref<1x96xi32, #tpu.memory_space<vmem>> -> memref<96xi32, #tpu.memory_space<vmem>>
      %dma_start3A_142 = tpu.memref_slice %arg3[%add3A_15] : memref<18432xi32, #tpu.memory_space<hbm>> -> memref<96xi32, #tpu.memory_space<hbm>>
      %dma_start3A_143 = arith.constant 0 : i32
      %dma_start3A_144 = tpu.memref_slice %arg5[%run_scoped3A_16, %dma_start3A_143] : memref<6x96xi32, #tpu.memory_space<vmem>> -> memref<1x96xi32, #tpu.memory_space<vmem>>
      %dma_start3A_145 = tpu.memref_squeeze %dma_start3A_144 : memref<1x96xi32, #tpu.memory_space<vmem>> -> memref<96xi32, #tpu.memory_space<vmem>>
      %dma_start3A_146 = tpu.memref_slice %arg3[%add3A_15] : memref<18432xi32, #tpu.memory_space<hbm>> -> memref<96xi32, #tpu.memory_space<hbm>>
      tpu.enqueue_dma source(%dma_start3A_146 : memref<96xi32, #tpu.memory_space<hbm>>) target(%dma_start3A_145 : memref<96xi32, #tpu.memory_space<vmem>>) target_semaphore(%run_scoped3A_138 : memref<!tpu.dma_semaphore, #tpu.memory_space<semaphore_mem>>)
      %dma_wait3A_147 = arith.constant 0 : i32
      %dma_wait3A_148 = tpu.memref_slice %arg5[%run_scoped3A_16, %dma_wait3A_147] : memref<6x96xi32, #tpu.memory_space<vmem>> -> memref<1x96xi32, #tpu.memory_space<vmem>>
      %dma_wait3A_149 = tpu.memref_squeeze %dma_wait3A_148 : memref<1x96xi32, #tpu.memory_space<vmem>> -> memref<96xi32, #tpu.memory_space<vmem>>
      %dma_wait3A_150 = tpu.memref_slice %arg3[%add3A_15] : memref<18432xi32, #tpu.memory_space<hbm>> -> memref<96xi32, #tpu.memory_space<hbm>>
      %dma_wait3A_151 = arith.constant 0 : i32
      %dma_wait3A_152 = tpu.memref_slice %arg5[%run_scoped3A_16, %dma_wait3A_151] : memref<6x96xi32, #tpu.memory_space<vmem>> -> memref<1x96xi32, #tpu.memory_space<vmem>>
      %dma_wait3A_153 = tpu.memref_squeeze %dma_wait3A_152 : memref<1x96xi32, #tpu.memory_space<vmem>> -> memref<96xi32, #tpu.memory_space<vmem>>
      %dma_wait3A_154 = tpu.memref_slice %arg3[%add3A_15] : memref<18432xi32, #tpu.memory_space<hbm>> -> memref<96xi32, #tpu.memory_space<hbm>>
      tpu.wait_dma2 semaphore(%run_scoped3A_138 : memref<!tpu.dma_semaphore, #tpu.memory_space<semaphore_mem>>) src(%dma_wait3A_154 : memref<96xi32, #tpu.memory_space<hbm>>) dst(%dma_wait3A_153 : memref<96xi32, #tpu.memory_space<vmem>>)
      tpu.yield
    }) : () -> ()
    %add3A_17 = arith.constant 480 : i32
    %add3A_18 = arith.addi %multiple_of3A, %add3A_17 : i32
    %run_scoped3A_19 = arith.constant 5 : i32
    "tpu.region"() ({
      %run_scoped3A_138 = tpu.sem_alloc : memref<!tpu.dma_semaphore, #tpu.memory_space<semaphore_mem>>
      %dma_start3A_139 = arith.constant 0 : i32
      %dma_start3A_140 = tpu.memref_slice %arg5[%run_scoped3A_19, %dma_start3A_139] : memref<6x96xi32, #tpu.memory_space<vmem>> -> memref<1x96xi32, #tpu.memory_space<vmem>>
      %dma_start3A_141 = tpu.memref_squeeze %dma_start3A_140 : memref<1x96xi32, #tpu.memory_space<vmem>> -> memref<96xi32, #tpu.memory_space<vmem>>
      %dma_start3A_142 = tpu.memref_slice %arg3[%add3A_18] : memref<18432xi32, #tpu.memory_space<hbm>> -> memref<96xi32, #tpu.memory_space<hbm>>
      %dma_start3A_143 = arith.constant 0 : i32
      %dma_start3A_144 = tpu.memref_slice %arg5[%run_scoped3A_19, %dma_start3A_143] : memref<6x96xi32, #tpu.memory_space<vmem>> -> memref<1x96xi32, #tpu.memory_space<vmem>>
      %dma_start3A_145 = tpu.memref_squeeze %dma_start3A_144 : memref<1x96xi32, #tpu.memory_space<vmem>> -> memref<96xi32, #tpu.memory_space<vmem>>
      %dma_start3A_146 = tpu.memref_slice %arg3[%add3A_18] : memref<18432xi32, #tpu.memory_space<hbm>> -> memref<96xi32, #tpu.memory_space<hbm>>
      tpu.enqueue_dma source(%dma_start3A_146 : memref<96xi32, #tpu.memory_space<hbm>>) target(%dma_start3A_145 : memref<96xi32, #tpu.memory_space<vmem>>) target_semaphore(%run_scoped3A_138 : memref<!tpu.dma_semaphore, #tpu.memory_space<semaphore_mem>>)
      %dma_wait3A_147 = arith.constant 0 : i32
      %dma_wait3A_148 = tpu.memref_slice %arg5[%run_scoped3A_19, %dma_wait3A_147] : memref<6x96xi32, #tpu.memory_space<vmem>> -> memref<1x96xi32, #tpu.memory_space<vmem>>
      %dma_wait3A_149 = tpu.memref_squeeze %dma_wait3A_148 : memref<1x96xi32, #tpu.memory_space<vmem>> -> memref<96xi32, #tpu.memory_space<vmem>>
      %dma_wait3A_150 = tpu.memref_slice %arg3[%add3A_18] : memref<18432xi32, #tpu.memory_space<hbm>> -> memref<96xi32, #tpu.memory_space<hbm>>
      %dma_wait3A_151 = arith.constant 0 : i32
      %dma_wait3A_152 = tpu.memref_slice %arg5[%run_scoped3A_19, %dma_wait3A_151] : memref<6x96xi32, #tpu.memory_space<vmem>> -> memref<1x96xi32, #tpu.memory_space<vmem>>
      %dma_wait3A_153 = tpu.memref_squeeze %dma_wait3A_152 : memref<1x96xi32, #tpu.memory_space<vmem>> -> memref<96xi32, #tpu.memory_space<vmem>>
      %dma_wait3A_154 = tpu.memref_slice %arg3[%add3A_18] : memref<18432xi32, #tpu.memory_space<hbm>> -> memref<96xi32, #tpu.memory_space<hbm>>
      tpu.wait_dma2 semaphore(%run_scoped3A_138 : memref<!tpu.dma_semaphore, #tpu.memory_space<semaphore_mem>>) src(%dma_wait3A_154 : memref<96xi32, #tpu.memory_space<hbm>>) dst(%dma_wait3A_153 : memref<96xi32, #tpu.memory_space<vmem>>)
      tpu.yield
    }) : () -> ()
    %dma_start3A = arith.constant 0 : i32
    %dma_start3A_20 = arith.constant 0 : i32
    %dma_start3A_21 = arith.constant 0 : i32
    %dma_start3A_22 = tpu.memref_slice %arg6[%dma_start3A_20, %dma_start3A_21] : memref<576x64xf32, #tpu.memory_space<vmem>> -> memref<96x64xf32, #tpu.memory_space<vmem>>
    %dma_start3A_23 = arith.constant 0 : i32
    %dma_start3A_24 = tpu.memref_slice %arg5[%dma_start3A, %dma_start3A_23] : memref<6x96xi32, #tpu.memory_space<vmem>> -> memref<1x96xi32, #tpu.memory_space<vmem>>
    %dma_start3A_25 = tpu.memref_squeeze %dma_start3A_24 : memref<1x96xi32, #tpu.memory_space<vmem>> -> memref<96xi32, #tpu.memory_space<vmem>>
    %dma_start3A_26 = arith.constant 0 : i32
    %dma_start3A_27 = arith.constant 0 : i32
    %dma_start3A_28 = tpu.memref_slice %arg2[%dma_start3A_26, %dma_start3A_27] : memref<8192x64xf32, #tpu.memory_space<hbm>> -> memref<8192x64xf32, #tpu.memory_space<hbm>>
    tpu.enqueue_indirect_dma source(%dma_start3A_28 : memref<8192x64xf32, #tpu.memory_space<hbm>>) target(%dma_start3A_22 : memref<96x64xf32, #tpu.memory_space<vmem>>) offsets(%dma_start3A_25 : memref<96xi32, #tpu.memory_space<vmem>>) semaphore(%arg7 : memref<!tpu.dma_semaphore, #tpu.memory_space<semaphore_mem>>)
    %dma_start3A_29 = arith.constant 1 : i32
    %dma_start3A_30 = arith.constant 96 : i32
    %dma_start3A_31 = arith.constant 0 : i32
    %dma_start3A_32 = tpu.memref_slice %arg6[%dma_start3A_30, %dma_start3A_31] : memref<576x64xf32, #tpu.memory_space<vmem>> -> memref<96x64xf32, #tpu.memory_space<vmem>>
    %dma_start3A_33 = arith.constant 0 : i32
    %dma_start3A_34 = tpu.memref_slice %arg5[%dma_start3A_29, %dma_start3A_33] : memref<6x96xi32, #tpu.memory_space<vmem>> -> memref<1x96xi32, #tpu.memory_space<vmem>>
    %dma_start3A_35 = tpu.memref_squeeze %dma_start3A_34 : memref<1x96xi32, #tpu.memory_space<vmem>> -> memref<96xi32, #tpu.memory_space<vmem>>
    %dma_start3A_36 = arith.constant 0 : i32
    %dma_start3A_37 = arith.constant 0 : i32
    %dma_start3A_38 = tpu.memref_slice %arg2[%dma_start3A_36, %dma_start3A_37] : memref<8192x64xf32, #tpu.memory_space<hbm>> -> memref<8192x64xf32, #tpu.memory_space<hbm>>
    tpu.enqueue_indirect_dma source(%dma_start3A_38 : memref<8192x64xf32, #tpu.memory_space<hbm>>) target(%dma_start3A_32 : memref<96x64xf32, #tpu.memory_space<vmem>>) offsets(%dma_start3A_35 : memref<96xi32, #tpu.memory_space<vmem>>) semaphore(%arg7 : memref<!tpu.dma_semaphore, #tpu.memory_space<semaphore_mem>>)
    %dma_start3A_39 = arith.constant 2 : i32
    %dma_start3A_40 = arith.constant 192 : i32
    %dma_start3A_41 = arith.constant 0 : i32
    %dma_start3A_42 = tpu.memref_slice %arg6[%dma_start3A_40, %dma_start3A_41] : memref<576x64xf32, #tpu.memory_space<vmem>> -> memref<96x64xf32, #tpu.memory_space<vmem>>
    %dma_start3A_43 = arith.constant 0 : i32
    %dma_start3A_44 = tpu.memref_slice %arg5[%dma_start3A_39, %dma_start3A_43] : memref<6x96xi32, #tpu.memory_space<vmem>> -> memref<1x96xi32, #tpu.memory_space<vmem>>
    %dma_start3A_45 = tpu.memref_squeeze %dma_start3A_44 : memref<1x96xi32, #tpu.memory_space<vmem>> -> memref<96xi32, #tpu.memory_space<vmem>>
    %dma_start3A_46 = arith.constant 0 : i32
    %dma_start3A_47 = arith.constant 0 : i32
    %dma_start3A_48 = tpu.memref_slice %arg2[%dma_start3A_46, %dma_start3A_47] : memref<8192x64xf32, #tpu.memory_space<hbm>> -> memref<8192x64xf32, #tpu.memory_space<hbm>>
    tpu.enqueue_indirect_dma source(%dma_start3A_48 : memref<8192x64xf32, #tpu.memory_space<hbm>>) target(%dma_start3A_42 : memref<96x64xf32, #tpu.memory_space<vmem>>) offsets(%dma_start3A_45 : memref<96xi32, #tpu.memory_space<vmem>>) semaphore(%arg7 : memref<!tpu.dma_semaphore, #tpu.memory_space<semaphore_mem>>)
    %dma_start3A_49 = arith.constant 3 : i32
    %dma_start3A_50 = arith.constant 288 : i32
    %dma_start3A_51 = arith.constant 0 : i32
    %dma_start3A_52 = tpu.memref_slice %arg6[%dma_start3A_50, %dma_start3A_51] : memref<576x64xf32, #tpu.memory_space<vmem>> -> memref<96x64xf32, #tpu.memory_space<vmem>>
    %dma_start3A_53 = arith.constant 0 : i32
    %dma_start3A_54 = tpu.memref_slice %arg5[%dma_start3A_49, %dma_start3A_53] : memref<6x96xi32, #tpu.memory_space<vmem>> -> memref<1x96xi32, #tpu.memory_space<vmem>>
    %dma_start3A_55 = tpu.memref_squeeze %dma_start3A_54 : memref<1x96xi32, #tpu.memory_space<vmem>> -> memref<96xi32, #tpu.memory_space<vmem>>
    %dma_start3A_56 = arith.constant 0 : i32
    %dma_start3A_57 = arith.constant 0 : i32
    %dma_start3A_58 = tpu.memref_slice %arg2[%dma_start3A_56, %dma_start3A_57] : memref<8192x64xf32, #tpu.memory_space<hbm>> -> memref<8192x64xf32, #tpu.memory_space<hbm>>
    tpu.enqueue_indirect_dma source(%dma_start3A_58 : memref<8192x64xf32, #tpu.memory_space<hbm>>) target(%dma_start3A_52 : memref<96x64xf32, #tpu.memory_space<vmem>>) offsets(%dma_start3A_55 : memref<96xi32, #tpu.memory_space<vmem>>) semaphore(%arg7 : memref<!tpu.dma_semaphore, #tpu.memory_space<semaphore_mem>>)
    %dma_start3A_59 = arith.constant 4 : i32
    %dma_start3A_60 = arith.constant 384 : i32
    %dma_start3A_61 = arith.constant 0 : i32
    %dma_start3A_62 = tpu.memref_slice %arg6[%dma_start3A_60, %dma_start3A_61] : memref<576x64xf32, #tpu.memory_space<vmem>> -> memref<96x64xf32, #tpu.memory_space<vmem>>
    %dma_start3A_63 = arith.constant 0 : i32
    %dma_start3A_64 = tpu.memref_slice %arg5[%dma_start3A_59, %dma_start3A_63] : memref<6x96xi32, #tpu.memory_space<vmem>> -> memref<1x96xi32, #tpu.memory_space<vmem>>
    %dma_start3A_65 = tpu.memref_squeeze %dma_start3A_64 : memref<1x96xi32, #tpu.memory_space<vmem>> -> memref<96xi32, #tpu.memory_space<vmem>>
    %dma_start3A_66 = arith.constant 0 : i32
    %dma_start3A_67 = arith.constant 0 : i32
    %dma_start3A_68 = tpu.memref_slice %arg2[%dma_start3A_66, %dma_start3A_67] : memref<8192x64xf32, #tpu.memory_space<hbm>> -> memref<8192x64xf32, #tpu.memory_space<hbm>>
    tpu.enqueue_indirect_dma source(%dma_start3A_68 : memref<8192x64xf32, #tpu.memory_space<hbm>>) target(%dma_start3A_62 : memref<96x64xf32, #tpu.memory_space<vmem>>) offsets(%dma_start3A_65 : memref<96xi32, #tpu.memory_space<vmem>>) semaphore(%arg7 : memref<!tpu.dma_semaphore, #tpu.memory_space<semaphore_mem>>)
    %dma_start3A_69 = arith.constant 5 : i32
    %dma_start3A_70 = arith.constant 480 : i32
    %dma_start3A_71 = arith.constant 0 : i32
    %dma_start3A_72 = tpu.memref_slice %arg6[%dma_start3A_70, %dma_start3A_71] : memref<576x64xf32, #tpu.memory_space<vmem>> -> memref<96x64xf32, #tpu.memory_space<vmem>>
    %dma_start3A_73 = arith.constant 0 : i32
    %dma_start3A_74 = tpu.memref_slice %arg5[%dma_start3A_69, %dma_start3A_73] : memref<6x96xi32, #tpu.memory_space<vmem>> -> memref<1x96xi32, #tpu.memory_space<vmem>>
    %dma_start3A_75 = tpu.memref_squeeze %dma_start3A_74 : memref<1x96xi32, #tpu.memory_space<vmem>> -> memref<96xi32, #tpu.memory_space<vmem>>
    %dma_start3A_76 = arith.constant 0 : i32
    %dma_start3A_77 = arith.constant 0 : i32
    %dma_start3A_78 = tpu.memref_slice %arg2[%dma_start3A_76, %dma_start3A_77] : memref<8192x64xf32, #tpu.memory_space<hbm>> -> memref<8192x64xf32, #tpu.memory_space<hbm>>
    tpu.enqueue_indirect_dma source(%dma_start3A_78 : memref<8192x64xf32, #tpu.memory_space<hbm>>) target(%dma_start3A_72 : memref<96x64xf32, #tpu.memory_space<vmem>>) offsets(%dma_start3A_75 : memref<96xi32, #tpu.memory_space<vmem>>) semaphore(%arg7 : memref<!tpu.dma_semaphore, #tpu.memory_space<semaphore_mem>>)
    %dma_wait3A = arith.constant 0 : i32
    %dma_wait3A_79 = arith.constant 0 : i32
    %dma_wait3A_80 = arith.constant 0 : i32
    %dma_wait3A_81 = tpu.memref_slice %arg6[%dma_wait3A_79, %dma_wait3A_80] : memref<576x64xf32, #tpu.memory_space<vmem>> -> memref<96x64xf32, #tpu.memory_space<vmem>>
    %dma_wait3A_82 = arith.constant 0 : i32
    %dma_wait3A_83 = tpu.memref_slice %arg5[%dma_wait3A, %dma_wait3A_82] : memref<6x96xi32, #tpu.memory_space<vmem>> -> memref<1x96xi32, #tpu.memory_space<vmem>>
    %dma_wait3A_84 = tpu.memref_squeeze %dma_wait3A_83 : memref<1x96xi32, #tpu.memory_space<vmem>> -> memref<96xi32, #tpu.memory_space<vmem>>
    %dma_wait3A_85 = arith.constant 0 : i32
    %dma_wait3A_86 = arith.constant 0 : i32
    %dma_wait3A_87 = tpu.memref_slice %arg2[%dma_wait3A_85, %dma_wait3A_86] : memref<8192x64xf32, #tpu.memory_space<hbm>> -> memref<8192x64xf32, #tpu.memory_space<hbm>>
    tpu.wait_indirect_dma semaphore(%arg7 : memref<!tpu.dma_semaphore, #tpu.memory_space<semaphore_mem>>) src(%dma_wait3A_87 : memref<8192x64xf32, #tpu.memory_space<hbm>>) dst(%dma_wait3A_81 : memref<96x64xf32, #tpu.memory_space<vmem>>)
    %dma_wait3A_88 = arith.constant 1 : i32
    %dma_wait3A_89 = arith.constant 96 : i32
    %dma_wait3A_90 = arith.constant 0 : i32
    %dma_wait3A_91 = tpu.memref_slice %arg6[%dma_wait3A_89, %dma_wait3A_90] : memref<576x64xf32, #tpu.memory_space<vmem>> -> memref<96x64xf32, #tpu.memory_space<vmem>>
    %dma_wait3A_92 = arith.constant 0 : i32
    %dma_wait3A_93 = tpu.memref_slice %arg5[%dma_wait3A_88, %dma_wait3A_92] : memref<6x96xi32, #tpu.memory_space<vmem>> -> memref<1x96xi32, #tpu.memory_space<vmem>>
    %dma_wait3A_94 = tpu.memref_squeeze %dma_wait3A_93 : memref<1x96xi32, #tpu.memory_space<vmem>> -> memref<96xi32, #tpu.memory_space<vmem>>
    %dma_wait3A_95 = arith.constant 0 : i32
    %dma_wait3A_96 = arith.constant 0 : i32
    %dma_wait3A_97 = tpu.memref_slice %arg2[%dma_wait3A_95, %dma_wait3A_96] : memref<8192x64xf32, #tpu.memory_space<hbm>> -> memref<8192x64xf32, #tpu.memory_space<hbm>>
    tpu.wait_indirect_dma semaphore(%arg7 : memref<!tpu.dma_semaphore, #tpu.memory_space<semaphore_mem>>) src(%dma_wait3A_97 : memref<8192x64xf32, #tpu.memory_space<hbm>>) dst(%dma_wait3A_91 : memref<96x64xf32, #tpu.memory_space<vmem>>)
    %dma_wait3A_98 = arith.constant 2 : i32
    %dma_wait3A_99 = arith.constant 192 : i32
    %dma_wait3A_100 = arith.constant 0 : i32
    %dma_wait3A_101 = tpu.memref_slice %arg6[%dma_wait3A_99, %dma_wait3A_100] : memref<576x64xf32, #tpu.memory_space<vmem>> -> memref<96x64xf32, #tpu.memory_space<vmem>>
    %dma_wait3A_102 = arith.constant 0 : i32
    %dma_wait3A_103 = tpu.memref_slice %arg5[%dma_wait3A_98, %dma_wait3A_102] : memref<6x96xi32, #tpu.memory_space<vmem>> -> memref<1x96xi32, #tpu.memory_space<vmem>>
    %dma_wait3A_104 = tpu.memref_squeeze %dma_wait3A_103 : memref<1x96xi32, #tpu.memory_space<vmem>> -> memref<96xi32, #tpu.memory_space<vmem>>
    %dma_wait3A_105 = arith.constant 0 : i32
    %dma_wait3A_106 = arith.constant 0 : i32
    %dma_wait3A_107 = tpu.memref_slice %arg2[%dma_wait3A_105, %dma_wait3A_106] : memref<8192x64xf32, #tpu.memory_space<hbm>> -> memref<8192x64xf32, #tpu.memory_space<hbm>>
    tpu.wait_indirect_dma semaphore(%arg7 : memref<!tpu.dma_semaphore, #tpu.memory_space<semaphore_mem>>) src(%dma_wait3A_107 : memref<8192x64xf32, #tpu.memory_space<hbm>>) dst(%dma_wait3A_101 : memref<96x64xf32, #tpu.memory_space<vmem>>)
    %dma_wait3A_108 = arith.constant 3 : i32
    %dma_wait3A_109 = arith.constant 288 : i32
    %dma_wait3A_110 = arith.constant 0 : i32
    %dma_wait3A_111 = tpu.memref_slice %arg6[%dma_wait3A_109, %dma_wait3A_110] : memref<576x64xf32, #tpu.memory_space<vmem>> -> memref<96x64xf32, #tpu.memory_space<vmem>>
    %dma_wait3A_112 = arith.constant 0 : i32
    %dma_wait3A_113 = tpu.memref_slice %arg5[%dma_wait3A_108, %dma_wait3A_112] : memref<6x96xi32, #tpu.memory_space<vmem>> -> memref<1x96xi32, #tpu.memory_space<vmem>>
    %dma_wait3A_114 = tpu.memref_squeeze %dma_wait3A_113 : memref<1x96xi32, #tpu.memory_space<vmem>> -> memref<96xi32, #tpu.memory_space<vmem>>
    %dma_wait3A_115 = arith.constant 0 : i32
    %dma_wait3A_116 = arith.constant 0 : i32
    %dma_wait3A_117 = tpu.memref_slice %arg2[%dma_wait3A_115, %dma_wait3A_116] : memref<8192x64xf32, #tpu.memory_space<hbm>> -> memref<8192x64xf32, #tpu.memory_space<hbm>>
    tpu.wait_indirect_dma semaphore(%arg7 : memref<!tpu.dma_semaphore, #tpu.memory_space<semaphore_mem>>) src(%dma_wait3A_117 : memref<8192x64xf32, #tpu.memory_space<hbm>>) dst(%dma_wait3A_111 : memref<96x64xf32, #tpu.memory_space<vmem>>)
    %dma_wait3A_118 = arith.constant 4 : i32
    %dma_wait3A_119 = arith.constant 384 : i32
    %dma_wait3A_120 = arith.constant 0 : i32
    %dma_wait3A_121 = tpu.memref_slice %arg6[%dma_wait3A_119, %dma_wait3A_120] : memref<576x64xf32, #tpu.memory_space<vmem>> -> memref<96x64xf32, #tpu.memory_space<vmem>>
    %dma_wait3A_122 = arith.constant 0 : i32
    %dma_wait3A_123 = tpu.memref_slice %arg5[%dma_wait3A_118, %dma_wait3A_122] : memref<6x96xi32, #tpu.memory_space<vmem>> -> memref<1x96xi32, #tpu.memory_space<vmem>>
    %dma_wait3A_124 = tpu.memref_squeeze %dma_wait3A_123 : memref<1x96xi32, #tpu.memory_space<vmem>> -> memref<96xi32, #tpu.memory_space<vmem>>
    %dma_wait3A_125 = arith.constant 0 : i32
    %dma_wait3A_126 = arith.constant 0 : i32
    %dma_wait3A_127 = tpu.memref_slice %arg2[%dma_wait3A_125, %dma_wait3A_126] : memref<8192x64xf32, #tpu.memory_space<hbm>> -> memref<8192x64xf32, #tpu.memory_space<hbm>>
    tpu.wait_indirect_dma semaphore(%arg7 : memref<!tpu.dma_semaphore, #tpu.memory_space<semaphore_mem>>) src(%dma_wait3A_127 : memref<8192x64xf32, #tpu.memory_space<hbm>>) dst(%dma_wait3A_121 : memref<96x64xf32, #tpu.memory_space<vmem>>)
    %dma_wait3A_128 = arith.constant 5 : i32
    %dma_wait3A_129 = arith.constant 480 : i32
    %dma_wait3A_130 = arith.constant 0 : i32
    %dma_wait3A_131 = tpu.memref_slice %arg6[%dma_wait3A_129, %dma_wait3A_130] : memref<576x64xf32, #tpu.memory_space<vmem>> -> memref<96x64xf32, #tpu.memory_space<vmem>>
    %dma_wait3A_132 = arith.constant 0 : i32
    %dma_wait3A_133 = tpu.memref_slice %arg5[%dma_wait3A_128, %dma_wait3A_132] : memref<6x96xi32, #tpu.memory_space<vmem>> -> memref<1x96xi32, #tpu.memory_space<vmem>>
    %dma_wait3A_134 = tpu.memref_squeeze %dma_wait3A_133 : memref<1x96xi32, #tpu.memory_space<vmem>> -> memref<96xi32, #tpu.memory_space<vmem>>
    %dma_wait3A_135 = arith.constant 0 : i32
    %dma_wait3A_136 = arith.constant 0 : i32
    %dma_wait3A_137 = tpu.memref_slice %arg2[%dma_wait3A_135, %dma_wait3A_136] : memref<8192x64xf32, #tpu.memory_space<hbm>> -> memref<8192x64xf32, #tpu.memory_space<hbm>>
    tpu.wait_indirect_dma semaphore(%arg7 : memref<!tpu.dma_semaphore, #tpu.memory_space<semaphore_mem>>) src(%dma_wait3A_137 : memref<8192x64xf32, #tpu.memory_space<hbm>>) dst(%dma_wait3A_131 : memref<96x64xf32, #tpu.memory_space<vmem>>)
    "tpu.region"() ({
      %run_scoped3A_138 = tpu.sem_alloc : memref<!tpu.dma_semaphore, #tpu.memory_space<semaphore_mem>>
      %dma_start3A_139 = arith.constant 0 : i32
      %dma_start3A_140 = tpu.memref_slice %arg4[%multiple_of3A, %dma_start3A_139] : memref<18432x64xf32, #tpu.memory_space<hbm>> -> memref<576x64xf32, #tpu.memory_space<hbm>>
      %dma_start3A_141 = arith.constant 0 : i32
      %dma_start3A_142 = tpu.memref_slice %arg4[%multiple_of3A, %dma_start3A_141] : memref<18432x64xf32, #tpu.memory_space<hbm>> -> memref<576x64xf32, #tpu.memory_space<hbm>>
      tpu.enqueue_dma source(%arg6 : memref<576x64xf32, #tpu.memory_space<vmem>>) target(%dma_start3A_142 : memref<576x64xf32, #tpu.memory_space<hbm>>) target_semaphore(%run_scoped3A_138 : memref<!tpu.dma_semaphore, #tpu.memory_space<semaphore_mem>>)
      %dma_wait3A_143 = arith.constant 0 : i32
      %dma_wait3A_144 = tpu.memref_slice %arg4[%multiple_of3A, %dma_wait3A_143] : memref<18432x64xf32, #tpu.memory_space<hbm>> -> memref<576x64xf32, #tpu.memory_space<hbm>>
      %dma_wait3A_145 = arith.constant 0 : i32
      %dma_wait3A_146 = tpu.memref_slice %arg4[%multiple_of3A, %dma_wait3A_145] : memref<18432x64xf32, #tpu.memory_space<hbm>> -> memref<576x64xf32, #tpu.memory_space<hbm>>
      tpu.wait_dma2 semaphore(%run_scoped3A_138 : memref<!tpu.dma_semaphore, #tpu.memory_space<semaphore_mem>>) src(%arg6 : memref<576x64xf32, #tpu.memory_space<vmem>>) dst(%dma_wait3A_146 : memref<576x64xf32, #tpu.memory_space<hbm>>)
      tpu.yield
    }) : () -> ()
    return
  }
}

module attributes {stable_mosaic.version = 14 : i64} {
  func.func @_argmin_body(%arg0: i32, %arg1: i32, %arg2: memref<512x128xf32, #tpu.memory_space<vmem>>, %arg3: memref<512x1xf32, #tpu.memory_space<vmem>>, %arg4: memref<1024x128xf32, #tpu.memory_space<vmem>>, %arg5: memref<1x1024xf32, #tpu.memory_space<vmem>>, %arg6: memref<512x1xi32, #tpu.memory_space<vmem>>, %arg7: memref<1x1xf32, #tpu.memory_space<vmem>>, %arg8: memref<512x1xf32, #tpu.memory_space<vmem>>) attributes {dimension_semantics = [#tpu.dimension_semantics<arbitrary>, #tpu.dimension_semantics<arbitrary>], iteration_bounds = array<i64: 36, 8>, scalar_prefetch = 0 : i64, scratch_operands = 1 : i64, tpu.core_type = #tpu.core_type<tc>, window_params = [{transform_indices = @transform_0, window_bounds = array<i64: 512, 128>}, {transform_indices = @transform_1, window_bounds = array<i64: 512, 1>}, {transform_indices = @transform_2, window_bounds = array<i64: 1024, 128>}, {transform_indices = @transform_3, window_bounds = array<i64: 1, 1024>}, {transform_indices = @transform_4, window_bounds = array<i64: 512, 1>}, {pipeline_mode = #tpu.pipeline_mode<synchronous>, transform_indices = @transform_5, window_bounds = array<i64: 1, 1>}]} {
    %get3A = arith.constant 0 : index
    %get3A_0 = arith.constant 0 : index
    %get3A_1 = vector.load %arg2[%get3A, %get3A_0] : memref<512x128xf32, #tpu.memory_space<vmem>>, vector<512x128xf32>
    %get3A_2 = arith.constant 0 : index
    %get3A_3 = arith.constant 0 : index
    %get3A_4 = vector.load %arg4[%get3A_2, %get3A_3] : memref<1024x128xf32, #tpu.memory_space<vmem>>, vector<1024x128xf32>
    %dot_general3A = arith.constant dense<0.000000e+00> : vector<512x1024xf32>
    %dot_general3A_5 = tpu.matmul %get3A_1, %get3A_4, %dot_general3A {dimension_numbers = #tpu.dot_dimension_numbers<[1], [1], [0], [0], [0, 0, 1, 0], [], []>, transpose_lhs_hint = false} : vector<512x128xf32>, vector<1024x128xf32>, vector<512x1024xf32> -> vector<512x1024xf32>
    %get3A_6 = arith.constant 0 : index
    %get3A_7 = arith.constant 0 : index
    %get3A_8 = vector.load %arg3[%get3A_6, %get3A_7] : memref<512x1xf32, #tpu.memory_space<vmem>>, vector<512x1xf32>
    %mul3A = arith.constant 2.000000e+00 : f32
    %mul3A_9 = vector.broadcast %mul3A : f32 to vector<512x1024xf32>
    %mul3A_10 = arith.mulf %mul3A_9, %dot_general3A_5 : vector<512x1024xf32>
    %sub3A = vector.broadcast %get3A_8 : vector<512x1xf32> to vector<512x1024xf32>
    %sub3A_11 = arith.subf %sub3A, %mul3A_10 : vector<512x1024xf32>
    %get3A_12 = arith.constant 0 : index
    %get3A_13 = arith.constant 0 : index
    %get3A_14 = vector.load %arg5[%get3A_12, %get3A_13] : memref<1x1024xf32, #tpu.memory_space<vmem>>, vector<1x1024xf32>
    %add3A = vector.broadcast %get3A_14 : vector<1x1024xf32> to vector<512x1024xf32>
    %add3A_15 = arith.addf %sub3A_11, %add3A : vector<512x1024xf32>
    %reduce_min3A = arith.constant dense<0x7F800000> : vector<512xf32>
    %reduce_min3A_16 = vector.multi_reduction <minimumf>, %add3A_15, %reduce_min3A [1] : vector<512x1024xf32> to vector<512xf32>
    %broadcast_in_dim3A = vector.shape_cast %reduce_min3A_16 : vector<512xf32> to vector<512x1xf32>
    %iota3A = tpu.iota {dimensions = array<i32: 1>} : vector<512x1024xi32>
    %mul3A_17 = arith.constant 1024 : i32
    %mul3A_18 = arith.muli %arg1, %mul3A_17 : i32
    %add3A_19 = vector.broadcast %mul3A_18 : i32 to vector<512x1024xi32>
    %add3A_20 = arith.addi %iota3A, %add3A_19 : vector<512x1024xi32>
    %le3A = vector.broadcast %broadcast_in_dim3A : vector<512x1xf32> to vector<512x1024xf32>
    %le3A_21 = arith.cmpf ole, %add3A_15, %le3A : vector<512x1024xf32>
    %jit3A = arith.constant 1073741824 : i32
    %broadcast_in_dim3A_22 = vector.broadcast %jit3A : i32 to vector<512x1024xi32>
    %select_n3A = arith.select %le3A_21, %add3A_20, %broadcast_in_dim3A_22 : vector<512x1024xi1>, vector<512x1024xi32>
    %reduce_min3A_23 = arith.constant dense<2147483647> : vector<512xi32>
    %reduce_min3A_24 = vector.multi_reduction <minsi>, %select_n3A, %reduce_min3A_23 [1] : vector<512x1024xi32> to vector<512xi32>
    %broadcast_in_dim3A_25 = vector.shape_cast %reduce_min3A_24 : vector<512xi32> to vector<512x1xi32>
    %eq3A = arith.constant 0 : i32
    %eq3A_26 = arith.cmpi eq, %arg1, %eq3A : i32
    %convert_element_type3A = arith.extui %eq3A_26 : i1 to i32
    %cond3A = arith.constant 0 : i32
    %cond3A_27 = arith.cmpi ne, %convert_element_type3A, %cond3A : i32
    scf.if %cond3A_27 {
      %swap3A = arith.constant 0 : index
      %swap3A_37 = arith.constant 0 : index
      %swap3A_38 = vector.load %arg8[%swap3A, %swap3A_37] : memref<512x1xf32, #tpu.memory_space<vmem>>, vector<512x1xf32>
      tpu.vector_store %arg8[%swap3A, %swap3A_37], %broadcast_in_dim3A {strides = array<i32>} : memref<512x1xf32, #tpu.memory_space<vmem>>, vector<512x1xf32>,
      %swap3A_39 = arith.constant 0 : index
      %swap3A_40 = arith.constant 0 : index
      %swap3A_41 = vector.load %arg6[%swap3A_39, %swap3A_40] : memref<512x1xi32, #tpu.memory_space<vmem>>, vector<512x1xi32>
      tpu.vector_store %arg6[%swap3A_39, %swap3A_40], %broadcast_in_dim3A_25 {strides = array<i32>} : memref<512x1xi32, #tpu.memory_space<vmem>>, vector<512x1xi32>,
    } else {
    }
    %gt3A = arith.constant 0 : i32
    %gt3A_28 = arith.cmpi sgt, %arg1, %gt3A : i32
    %convert_element_type3A_29 = arith.extui %gt3A_28 : i1 to i32
    %cond3A_30 = arith.constant 0 : i32
    %cond3A_31 = arith.cmpi ne, %convert_element_type3A_29, %cond3A_30 : i32
    scf.if %cond3A_31 {
      %get3A_37 = arith.constant 0 : index
      %get3A_38 = arith.constant 0 : index
      %get3A_39 = vector.load %arg8[%get3A_37, %get3A_38] : memref<512x1xf32, #tpu.memory_space<vmem>>, vector<512x1xf32>
      %lt3A = arith.cmpf olt, %broadcast_in_dim3A, %get3A_39 : vector<512x1xf32>
      %get3A_40 = arith.constant 0 : index
      %get3A_41 = arith.constant 0 : index
      %get3A_42 = vector.load %arg6[%get3A_40, %get3A_41] : memref<512x1xi32, #tpu.memory_space<vmem>>, vector<512x1xi32>
      %select_n3A_43 = arith.select %lt3A, %broadcast_in_dim3A_25, %get3A_42 : vector<512x1xi1>, vector<512x1xi32>
      %swap3A = arith.constant 0 : index
      %swap3A_44 = arith.constant 0 : index
      %swap3A_45 = vector.load %arg6[%swap3A, %swap3A_44] : memref<512x1xi32, #tpu.memory_space<vmem>>, vector<512x1xi32>
      tpu.vector_store %arg6[%swap3A, %swap3A_44], %select_n3A_43 {strides = array<i32>} : memref<512x1xi32, #tpu.memory_space<vmem>>, vector<512x1xi32>,
      %get3A_46 = arith.constant 0 : index
      %get3A_47 = arith.constant 0 : index
      %get3A_48 = vector.load %arg8[%get3A_46, %get3A_47] : memref<512x1xf32, #tpu.memory_space<vmem>>, vector<512x1xf32>
      %select_n3A_49 = arith.select %lt3A, %broadcast_in_dim3A, %get3A_48 : vector<512x1xi1>, vector<512x1xf32>
      %swap3A_50 = arith.constant 0 : index
      %swap3A_51 = arith.constant 0 : index
      %swap3A_52 = vector.load %arg8[%swap3A_50, %swap3A_51] : memref<512x1xf32, #tpu.memory_space<vmem>>, vector<512x1xf32>
      tpu.vector_store %arg8[%swap3A_50, %swap3A_51], %select_n3A_49 {strides = array<i32>} : memref<512x1xf32, #tpu.memory_space<vmem>>, vector<512x1xf32>,
    } else {
    }
    %eq3A_32 = arith.constant 7 : i32
    %eq3A_33 = arith.cmpi eq, %arg1, %eq3A_32 : i32
    %convert_element_type3A_34 = arith.extui %eq3A_33 : i1 to i32
    %cond3A_35 = arith.constant 0 : i32
    %cond3A_36 = arith.cmpi ne, %convert_element_type3A_34, %cond3A_35 : i32
    scf.if %cond3A_36 {
      %get3A_37 = arith.constant 0 : index
      %get3A_38 = arith.constant 0 : index
      %get3A_39 = vector.load %arg8[%get3A_37, %get3A_38] : memref<512x1xf32, #tpu.memory_space<vmem>>, vector<512x1xf32>
      %reduce_sum3A = vector.shape_cast %get3A_39 : vector<512x1xf32> to vector<1x512x1xf32>
      %reduce_sum3A_40 = arith.constant dense<0.000000e+00> : vector<1xf32>
      %reduce_sum3A_41 = vector.multi_reduction <add>, %reduce_sum3A, %reduce_sum3A_40 [1, 2] : vector<1x512x1xf32> to vector<1xf32>
      %reduce_sum3A_42 = vector.shape_cast %reduce_sum3A_41 : vector<1xf32> to vector<1x1x1xf32>
      %reduce_sum3A_43 = vector.extract %reduce_sum3A_42[0, 0, 0] : f32 from vector<1x1x1xf32>
      %broadcast_in_dim3A_44 = vector.broadcast %reduce_sum3A_43 : f32 to vector<1x1xf32>
      %eq3A_45 = arith.constant 0 : i32
      %eq3A_46 = arith.cmpi eq, %arg0, %eq3A_45 : i32
      %broadcast_in_dim3A_47 = arith.constant 0.000000e+00 : f32
      %broadcast_in_dim3A_48 = vector.broadcast %broadcast_in_dim3A_47 : f32 to vector<1x1xf32>
      %get3A_49 = arith.constant 0 : index
      %get3A_50 = arith.constant 0 : index
      %get3A_51 = vector.load %arg7[%get3A_49, %get3A_50] : memref<1x1xf32, #tpu.memory_space<vmem>>, vector<1x1xf32>
      %select_n3A_52 = arith.select %eq3A_46, %broadcast_in_dim3A_48, %get3A_51 : vector<1x1xf32>
      %add3A_53 = arith.addf %select_n3A_52, %broadcast_in_dim3A_44 : vector<1x1xf32>
      %eq3A_54 = arith.constant 35 : i32
      %eq3A_55 = arith.cmpi eq, %arg0, %eq3A_54 : i32
      %mul3A_56 = arith.constant 2.11927627E-7 : f32
      %mul3A_57 = vector.broadcast %mul3A_56 : f32 to vector<1x1xf32>
      %mul3A_58 = arith.mulf %add3A_53, %mul3A_57 : vector<1x1xf32>
      %select_n3A_59 = arith.select %eq3A_55, %mul3A_58, %add3A_53 : vector<1x1xf32>
      %swap3A = arith.constant 0 : index
      %swap3A_60 = arith.constant 0 : index
      %swap3A_61 = vector.load %arg7[%swap3A, %swap3A_60] : memref<1x1xf32, #tpu.memory_space<vmem>>, vector<1x1xf32>
      tpu.vector_store %arg7[%swap3A, %swap3A_60], %select_n3A_59 {strides = array<i32>} : memref<1x1xf32, #tpu.memory_space<vmem>>, vector<1x1xf32>,
    } else {
    }
    return
  }
  func.func @transform_0(%arg0: i32, %arg1: i32) -> (i32, i32) {
    %c0_i32 = arith.constant 0 : i32
    %c0_i32_0 = arith.constant 0 : i32
    return %arg0, %c0_i32 : i32, i32
  }
  func.func @transform_1(%arg0: i32, %arg1: i32) -> (i32, i32) {
    %c0_i32 = arith.constant 0 : i32
    %c0_i32_0 = arith.constant 0 : i32
    return %arg0, %c0_i32 : i32, i32
  }
  func.func @transform_2(%arg0: i32, %arg1: i32) -> (i32, i32) {
    %c0_i32 = arith.constant 0 : i32
    %c0_i32_0 = arith.constant 0 : i32
    return %arg1, %c0_i32 : i32, i32
  }
  func.func @transform_3(%arg0: i32, %arg1: i32) -> (i32, i32) {
    %c0_i32 = arith.constant 0 : i32
    %c0_i32_0 = arith.constant 0 : i32
    return %c0_i32, %arg1 : i32, i32
  }
  func.func @transform_4(%arg0: i32, %arg1: i32) -> (i32, i32) {
    %c0_i32 = arith.constant 0 : i32
    %c0_i32_0 = arith.constant 0 : i32
    return %arg0, %c0_i32 : i32, i32
  }
  func.func @transform_5(%arg0: i32, %arg1: i32) -> (i32, i32) {
    %c0_i32 = arith.constant 0 : i32
    %c0_i32_0 = arith.constant 0 : i32
    %c0_i32_1 = arith.constant 0 : i32
    return %c0_i32, %c0_i32_0 : i32, i32
  }
}

</mosaic_0001>

<sc_bundles>
// kernel: kernel.4.cloned.1.call-start
scs
__scs_entry_jumppad:
0x0: {  	(pc) =	sbr.rel $0x88, $3  }
0x1: {  	(tag) =	ssettag $0x0;
	lr =	simm.s32 $0x1  }
0x2: {  	[smem:$0x3F9F] =	sst lr;
	_ =	strace $0xD0000000  }
0x3: {  	_ = 	snop  }
0x4: {  	_ = 	snop  }
0x5: {  	_ = 	snop  }
0x6: {  	_ = 	snop  }
0x7: {  	_ = 	snop  }
__scs_overlays_trampoline_lowered:
0x8: {  	[smem:$0x3FAE] =	sst s0  }
0x9: {  	[smem:$0x3FAF] =	sst s1  }
0xa: {  	[smem:$0x3FB0] =	sst s2  }
0xb: {  	[smem:$0x3FB1] =	sst s3  }
0xc: {  	[smem:$0x3FB2] =	sst s4  }
0xd: {  	[smem:$0x3FB3] =	sst s5  }
0xe: {  	[smem:$0x3FB4] =	sst s6  }
0xf: {  	[smem:$0x3FB5] =	sst s7  }
0x10: {  	[smem:$0x3FB6] =	sst s8  }
0x11: {  	[smem:$0x3FB7] =	sst s9;
	s0 =	simm.s32 @!p0 $0x0  }
0x12: {  	s1 =	sld [smem:$0x3F9D];
	s0 =	simm.s32 @p0 $0x1  }
0x13: {  	[smem:$0x3FB8] =	sst s0;
	s0 =	simm.s32 @!p1 $0x0  }
0x14: {  	s2 =	sld [smem:$0x3F9C];
	s0 =	simm.s32 @p1 $0x1  }
0x15: {  	[smem:$0x3FB9] =	sst s0;
	s0 =	simm.s32 @!p2 $0x0  }
0x16: {  	s3 =	sld [smem:$0x3FDB];
	s0 =	simm.s32 @p2 $0x1  }
0x17: {  	s4 =	simm.s32 $0x1BF5;
	[smem:$0x3FBB] =	sst s0  }
0x18: {  	s0 =	sld [smem:$0x3F9E];
	_ =	swait.ge [sflag:s4], $0x0  }
0x19: {  	s7 =	sld [smem:$0x3F9F]  }
0x1a: {  	s8 =	sadd.s32 $0xFFFFE003, lr  }
0x1b: {  	s9 =	sadd.s32 $0xFFFFFEF7, lr;
	s5 =	simm.s32 $0xFFFFFFFF;
	p2 =	slt.u32 s8, $0xFFFFF086  }
0x1c: {  	p1 =	slt.u32 s9, $0xF7A;
	s5 =	simm.s32 @!p2 $0x0  }
0x1d: {  	s5 =	simm.s32 @p1 $0x1;
	p0 =	seq.s32 s7, s2  }
0x1e: {  	s7 =	smul.u32 @!p0 $0xF7A, s2;
	p2 =	seq.s32 @!p0 s5, $0x0  }
0x1f: {  	s9 =	smul.u32 $0xF7A, s1;
	s8 =	simm.s32 @!p0 $0x1BF5;
	p2 =	por !p2, p0  }
0x20: {  	[sflag:s8] =	ssyncset.s32 @!p0 $0xFFFFF086;
	s6 =	sadd.s32 @!p0 s3, s7;
	s7 =	simm.s32 @!p0 $0x108  }
0x21: {  	s3 =	sadd.s32 s3, s9;
	s6 =	sadd.s32 @!p0 $0x88, s6;
	s7 =	simm.s32 @p2 $0x1082  }
0x22: {  	[simem:s7], [sflag:s8] =	dma.local @!p0 [hbm:s6], $0xF7A  }
0x23: {  	s9 =	sor.u32 $0xD0000000, s2;
	s6 =	simm.s32 $0x108;
	_ =	swait.ge @!p0 [sflag:s8], $0x0  }
0x24: {  	s3 =	sadd.s32 $0x88, s3;
	s6 =	simm.s32 @!p1 $0x1082;
	[sflag:s4] =	ssyncset.s32 $0xFFFFF086  }
0x25: {  	[simem:s6], [sflag:s4] =	dma.local [hbm:s3], $0xF7A  }
0x26: {  	[smem:$0x3F9F] =	sst s1;
	(tag) =	ssettag s2;
	_ =	strace s9  }
0x27: {  	s1 =	sld [smem:$0x3FAF]  }
0x28: {  	s2 =	sld [smem:$0x3FB0]  }
0x29: {  	s4 =	sld [smem:$0x3FB2]  }
0x2a: {  	p0 =	seq.s32 s5, $0x0;
	s5 =	sld [smem:$0x3FB3]  }
0x2b: {  	s6 =	sld [smem:$0x3FB4]  }
0x2c: {  	s7 =	sld [smem:$0x3FB5]  }
0x2d: {  	s3 =	simm.s32 $0x108;
	s8 =	sld [smem:$0x3FB6]  }
0x2e: {  	s3 =	simm.s32 @!p0 $0x1082;
	s9 =	sld [smem:$0x3FB7]  }
0x2f: {  	lr =	sadd.s32 s0, s3;
	s0 =	sld [smem:$0x3FAE]  }
0x30: {  	s3 =	sld [smem:$0x3FB1]  }
0x31: {  	[smem:$0x3FBA] =	sst s10  }
0x32: {  	s10 =	sld [smem:$0x3FB8];
	_ =	sdelay $0x3  }
0x33: {  	p0 =	seq.s32 s10, $0x1;
	s10 =	sld [smem:$0x3FBA];
	_ =	sdelay $0x3  }
0x34: {  	[smem:$0x3FBA] =	sst s10  }
0x35: {  	s10 =	sld [smem:$0x3FB9];
	_ =	sdelay $0x3  }
0x36: {  	p1 =	seq.s32 s10, $0x1;
	s10 =	sld [smem:$0x3FBA];
	_ =	sdelay $0x3  }
0x37: {  	[smem:$0x3FBA] =	sst s10  }
0x38: {  	s10 =	sld [smem:$0x3FBB]  }
0x39: {  	_ = 	snop;
	(pc) =	sbr.ind lr, $3  }
0x3a: {  	_ = 	snop  }
0x3b: {  	_ = 	snop  }
0x3c: {  	p2 =	seq.s32 s10, $0x1;
	s10 =	sld [smem:$0x3FBA]  }
0x3d: {  	_ =	shalt  }
0x3e: {  	_ =	shalt  }
0x3f: {  	_ =	shalt  }
0x40: {  	_ =	shalt  }
0x41: {  	_ =	shalt  }
0x42: {  	_ =	shalt  }
0x43: {  	_ =	shalt  }
0x44: {  	_ =	shalt  }
0x45: {  	_ =	shalt  }
0x46: {  	_ =	shalt  }
0x47: {  	_ =	shalt  }
0x48: {  	_ =	shalt  }
0x49: {  	_ =	shalt  }
0x4a: {  	_ =	shalt  }
0x4b: {  	_ =	shalt  }
0x4c: {  	_ =	shalt  }
0x4d: {  	_ =	shalt  }
0x4e: {  	_ =	shalt  }
0x4f: {  	_ =	shalt  }
0x50: {  	_ =	shalt  }
0x51: {  	_ =	shalt  }
0x52: {  	_ =	shalt  }
0x53: {  	_ =	shalt  }
0x54: {  	_ =	shalt  }
0x55: {  	_ =	shalt  }
0x56: {  	_ =	shalt  }
0x57: {  	_ =	shalt  }
0x58: {  	_ =	shalt  }
0x59: {  	_ =	shalt  }
0x5a: {  	_ =	shalt  }
0x5b: {  	_ =	shalt  }
0x5c: {  	_ =	shalt  }
0x5d: {  	_ =	shalt  }
0x5e: {  	_ =	shalt  }
0x5f: {  	_ =	shalt  }
0x60: {  	_ =	shalt  }
0x61: {  	_ =	shalt  }
0x62: {  	_ =	shalt  }
0x63: {  	_ =	shalt  }
0x64: {  	_ =	shalt  }
0x65: {  	_ =	shalt  }
0x66: {  	_ =	shalt  }
0x67: {  	_ =	shalt  }
0x68: {  	_ =	shalt  }
0x69: {  	_ =	shalt  }
0x6a: {  	_ =	shalt  }
0x6b: {  	_ =	shalt  }
0x6c: {  	_ =	shalt  }
0x6d: {  	_ =	shalt  }
0x6e: {  	_ =	shalt  }
0x6f: {  	_ =	shalt  }
0x70: {  	_ =	shalt  }
0x71: {  	_ =	shalt  }
0x72: {  	_ =	shalt  }
0x73: {  	_ =	shalt  }
0x74: {  	_ =	shalt  }
0x75: {  	_ =	shalt  }
0x76: {  	_ =	shalt  }
0x77: {  	_ =	shalt  }
0x78: {  	_ =	shalt  }
0x79: {  	_ =	shalt  }
0x7a: {  	_ =	shalt  }
0x7b: {  	_ =	shalt  }
0x7c: {  	_ =	shalt  }
0x7d: {  	_ =	shalt  }
0x7e: {  	_ =	shalt  }
0x7f: {  	_ =	shalt  }
0x80: {  	_ =	shalt  }
0x81: {  	_ =	shalt  }
0x82: {  	_ =	shalt  }
0x83: {  	_ =	shalt  }
0x84: {  	_ =	shalt  }
0x85: {  	_ =	shalt  }
0x86: {  	_ =	shalt  }
0x87: {  	_ =	shalt  }
.Lfunc_end0:
.L_simem_size_0:
called_computation_lowered:
.L_overlay_start_0:
0x88: {  	s2 =	sld [smem:$0x3FD9]  }
0x89: {  	s3 =	sld [smem:$0x3FFE];
	_ =	sdelay $0x1  }
0x8a: {  	s1 =	srdreg.scid  }
0x8b: {  	s0 =	sand.u32 $0x1, s1  }
0x8c: {  	s14 =	sshll.u32 s0, $0xA;
	s2 =	sadd.s32 s3, s2  }
0x8d: {  	s2 =	sadd.s32 s2, s14  }
0x8e: {  	[smem:$0x3FC6] =	sst s2  }
0x8f: {  	_ = 	snop  }
0x90: {  	s2 =	sld [smem:$0x3FD0];
	_ =	sdelay $0x2  }
0x91: {  	s15 =	simm.s32 $0xA;
	s4 =	simm.s32 $0x10  }
0x92: {  	[smem:s4], [sflag:s15] =	dma.local [hbm:s2], $0x1  }
0x93: {  	_ =	swait.eq [sflag:s15], $0x1  }
0x94: {  	[sflag:s15] =	ssyncset.done $0x0  }
0x95: {  	s16 =	sld [smem:$0x10];
	[sflag:s15] =	ssyncadd.s32 $0xFFFFFFFF  }
0x96: {  	s17 =	sld [smem:$0x11];
	(tm) =	ssettm $0x1  }
0x97: {  	s18 =	sld [smem:$0x3FFB];
	_ =	sdelay $0x3  }
0x98: {  	_ =	strace s18  }
0x99: {  	s4 =	sld [smem:$0x3FFC];
	_ =	sdelay $0x3  }
0x9a: {  	_ =	strace s4  }
0x9b: {  	s4 =	sld [smem:$0x3FFD];
	_ =	sdelay $0x3  }
0x9c: {  	_ =	strace s4  }
0x9d: {  	_ =	strace $0x8FFFFFFF  }
0x9e: {  	s19 =	sld [smem:$0x3FDB];
	_ =	sdelay $0x1  }
0x9f: {  	s5 =	simm.s32 $_scs_section_size  }
0xa0: {  	s6 =	simm.s32 $_size__tile_overlayer_lowered;
	s7 =	simm.s32 $_tile_overlayer_lowered  }
0xa1: {  	s22 =	simm.s32 $0x1BFF;
	s21 =	sshll.u32 s7, $0x1;
	s4 =	sadd.s32 s5, s19  }
0xa2: {  	s8 =	simm.s32 $0x0;
	s20 =	sshll.u32 s6, $0x1;
	s6 =	sadd.s32 s21, s4  }
0xa3: {  	[timem:s8], [sflag:s22] =	dma.local [hbm:s6], s20  }
0xa4: {  	_ =	swait.ge [sflag:s22], s20  }
0xa5: {  	s5 =	ssub.s32 $0x0, s20;
	[sflag:s22] =	ssyncset.done $0x0  }
0xa6: {  	[sflag:s22] =	ssyncadd.s32 s5;
	_ =	sdelay $0x1  }
0xa7: {  	s23 =	simm.s32 $0x1B8B  }
0xa8: {  	_ =	swait.ge [sflag:s23], $0x1  }
0xa9: {  	[sflag:s23] =	ssyncset.done $0x0  }
0xaa: {  	s25 =	simm.s32 $0x1B8E;
	s24 =	sld [smem:$0x3FFE];
	[sflag:s23] =	ssyncadd.s32 $0xFFFFFFFF  }
0xab: {  	s26 =	simm.s32 $execute0_lowered;
	[smem:$0x3FD2] =	sst s25  }
0xac: {  	s6 =	sshll.u32 s26, $0x1;
	_ =	strace $0x80000046;
	[dreg:$0x1] =	wrdreg $0xFFFFFFFF  }
0xad: {  	s28 =	simm.s32 $_size_execute0_lowered;
	s4 =	sadd.s32 s4, s6;
	[dreg:$0x0] =	wrdreg $0x0  }
0xae: {  	s6 =	sshll.u32 s28, $0x1;
	[dreg:$0x2] =	wrdreg s4  }
0xaf: {  	[dreg:$0x3] =	wrdreg s6  }
0xb0: {  	[dreg:$0x4] =	wrdreg $0xC0  }
0xb1: {  	_ =	task [dreg:s8], $0x5FFFF  }
0xb2: {  	[dreg:$0x1] =	wrdreg $0xFFFFFFFF  }
0xb3: {  	[dreg:$0x0] =	wrdreg $0x60  }
0xb4: {  	[dreg:$0x2] =	wrdreg s24  }
0xb5: {  	[dreg:$0x3] =	wrdreg s17  }
0xb6: {  	[dreg:$0x4] =	wrdreg s16  }
0xb7: {  	[dreg:$0x5] =	wrdreg $0x9  }
0xb8: {  	_ =	task.clear_ibuf [dreg:s8], $0x6FFFF;
	_ =	strace $0x90000046  }
0xb9: {  	s29 =	simm.s32 $0x9;
	_ =	strace $0x80000048  }
0xba: {  	_ =	swait.ge [sflag:s29], $0x1  }
0xbb: {  	[sflag:s29] =	ssyncadd.s32 $0xFFFFFFFF  }
0xbc: {  	_ =	strace $0x90000048  }
0xbd: {  	_ =	sfence  }
0xbe: {  	s30 =	sld [smem:$0x0];
	_ =	sdelay $0x2  }
0xbf: {  	s31 =	sshll.u32 s1, $0xD;
	s1 =	sshrl.u32 s1, $0x2  }
0xc0: {  	s3 =	sand.u32 $0x4000, s31;
	s1 =	sadd.s32 s1, s30  }
0xc1: {  	s0 =	sor.u32 s3, s0;
	s1 =	sshll.u32 s1, $0x11  }
0xc2: {  	s0 =	sor.u32 s1, s0  }
0xc3: {  	s0 =	sadd.s32 $0x8F2B, s0  }
0xc4: {  	[sflag:s0] =	ssyncadd.remote.s32 $0x1  }
0xc5: {  	_ =	sfence.sel $0xFFFF  }
0xc6: {  	[dreg:$0x0] =	wrdreg $0xFFFFFFFF;
	(pc) =	sbr.abs _section_cstart, $3  }
0xc7: {  	[dreg:$0x1] =	wrdreg $0xFFFFFFFF  }
0xc8: {  	_ =	task.clear_ibuf [dreg:s8], $0x2FFFF;
	_ =	strace $0x9FFFFFFF  }
0xc9: {  	(tm) =	ssettm $0x7FFFFFFF  }
tec
execute0_lowered:
.L_overlay_start_1:
0x0: {  	(tag) =	ssettag $0x1  }
0x1: {  	s1 =	srdreg.scid;
	s0 =	stileid.u32  }
0x2: {  	s2 =	rddreg [dreg:$0x0];
	s24 =	sand.u32 $0x1, s1;
	s31 =	sshll.u32 s0, $0x1  }
0x3: {  	s4 =	rddreg [dreg:$0x1];
	s25 =	sor.u32 s24, s31  }
0x4: {  	s23 =	rddreg [dreg:$0x2];
	s5 =	smul.u32 $0x240, s25  }
0x5: {  	s3 =	simm.s32 $0x0;
	s1 =	rddreg [dreg:$0x3]  }
0x6: {  	[smem:$0x7FF] =	sst s3;
	s5 =	sshrl.u32 s5, $0x3  }
0x7: {  	_ =	strace $0x80000047;
	s5 =	sadd.s32 s4, s5;
	s4 =	simm.s32 $0x2  }
0x8: {  	[tilespmem:s3], [sflag:$0x2] =	stream.linear.gather [hbm4b:s5+s3], $0x60, $0x38;
	[tilespmem:$0x9240] =	vst v63  }
0x9: {  	_ =	swait.ge [sflag:s4], $0x60  }
0xa: {  	[sflag:s4] =	ssyncset.done $0x0  }
0xb: {  	s7 =	simm.s32 $0x60;
	s6 =	sadd.s32 $0xC, s5;
	[sflag:s4] =	ssyncadd.s32 $0xFFFFFFA0  }
0xc: {  	[tilespmem:s7], [sflag:$0x2] =	stream.linear.gather [hbm4b:s6+s3], $0x60, $0x38;
	[tilespmem:$0x9240] =	vst v63  }
0xd: {  	_ =	swait.ge [sflag:s4], $0x60  }
0xe: {  	[sflag:s4] =	ssyncset.done $0x0  }
0xf: {  	s9 =	simm.s32 $0xC0;
	s8 =	sadd.s32 $0x18, s5;
	[sflag:s4] =	ssyncadd.s32 $0xFFFFFFA0  }
0x10: {  	[tilespmem:s9], [sflag:$0x2] =	stream.linear.gather [hbm4b:s8+s3], $0x60, $0x38;
	[tilespmem:$0x9240] =	vst v63  }
0x11: {  	_ =	swait.ge [sflag:s4], $0x60  }
0x12: {  	[sflag:s4] =	ssyncset.done $0x0  }
0x13: {  	s11 =	simm.s32 $0x120;
	s10 =	sadd.s32 $0x24, s5;
	[sflag:s4] =	ssyncadd.s32 $0xFFFFFFA0  }
0x14: {  	[tilespmem:s11], [sflag:$0x2] =	stream.linear.gather [hbm4b:s10+s3], $0x60, $0x38;
	[tilespmem:$0x9240] =	vst v63  }
0x15: {  	_ =	swait.ge [sflag:s4], $0x60  }
0x16: {  	[sflag:s4] =	ssyncset.done $0x0  }
0x17: {  	s13 =	simm.s32 $0x180;
	s12 =	sadd.s32 $0x30, s5;
	[sflag:s4] =	ssyncadd.s32 $0xFFFFFFA0  }
0x18: {  	[tilespmem:s13], [sflag:$0x2] =	stream.linear.gather [hbm4b:s12+s3], $0x60, $0x38;
	[tilespmem:$0x9240] =	vst v63  }
0x19: {  	_ =	swait.ge [sflag:s4], $0x60  }
0x1a: {  	[sflag:s4] =	ssyncset.done $0x0  }
0x1b: {  	s15 =	simm.s32 $0x1E0;
	s14 =	sadd.s32 $0x3C, s5;
	[sflag:s4] =	ssyncadd.s32 $0xFFFFFFA0  }
0x1c: {  	[tilespmem:s15], [sflag:$0x2] =	stream.linear.gather [hbm4b:s14+s3], $0x60, $0x38;
	[tilespmem:$0x9240] =	vst v63  }
0x1d: {  	_ =	swait.ge [sflag:s4], $0x60  }
0x1e: {  	[sflag:s4] =	ssyncset.done $0x0  }
0x1f: {  	s16 =	simm.s32 $0x240;
	[sflag:s4] =	ssyncadd.s32 $0xFFFFFFA0  }
0x20: {  	[tilespmem:s16], [sflag:$0x1] =	stream.indirect.gather [hbm4b:s2+s7], $0x40, s3, s7, $0xb8;
	[tilespmem:$0x9240] =	vst v63  }
0x21: {  	s17 =	simm.s32 $0x1A40  }
0x22: {  	[tilespmem:s17], [sflag:$0x1] =	stream.indirect.gather [hbm4b:s2+s7], $0x40, s7, s7, $0xb8;
	[tilespmem:$0x9240] =	vst v63  }
0x23: {  	s18 =	simm.s32 $0x3240  }
0x24: {  	[tilespmem:s18], [sflag:$0x1] =	stream.indirect.gather [hbm4b:s2+s7], $0x40, s9, s7, $0xb8;
	[tilespmem:$0x9240] =	vst v63  }
0x25: {  	s19 =	simm.s32 $0x4A40  }
0x26: {  	[tilespmem:s19], [sflag:$0x1] =	stream.indirect.gather [hbm4b:s2+s7], $0x40, s11, s7, $0xb8;
	[tilespmem:$0x9240] =	vst v63  }
0x27: {  	s20 =	simm.s32 $0x6240  }
0x28: {  	[tilespmem:s20], [sflag:$0x1] =	stream.indirect.gather [hbm4b:s2+s7], $0x40, s13, s7, $0xb8;
	[tilespmem:$0x9240] =	vst v63  }
0x29: {  	s21 =	simm.s32 $0x7A40;
	s22 =	simm.s32 $0x1  }
0x2a: {  	[tilespmem:s21], [sflag:$0x1] =	stream.indirect.gather [hbm4b:s2+s7], $0x40, s15, s7, $0xb8;
	[tilespmem:$0x9240] =	vst v63  }
0x2b: {  	_ =	swait.ge [sflag:s22], $0x1800  }
0x2c: {  	[sflag:s22] =	ssyncset.done $0x0  }
0x2d: {  	[sflag:s22] =	ssyncadd.s32 $0xFFFFE800  }
0x2e: {  	_ =	swait.ge [sflag:s22], $0x1800  }
0x2f: {  	[sflag:s22] =	ssyncset.done $0x0  }
0x30: {  	[sflag:s22] =	ssyncadd.s32 $0xFFFFE800  }
0x31: {  	_ =	swait.ge [sflag:s22], $0x1800  }
0x32: {  	[sflag:s22] =	ssyncset.done $0x0  }
0x33: {  	[sflag:s22] =	ssyncadd.s32 $0xFFFFE800  }
0x34: {  	_ =	swait.ge [sflag:s22], $0x1800  }
0x35: {  	[sflag:s22] =	ssyncset.done $0x0  }
0x36: {  	s24 =	ssub.s32 $0x2, s24;
	[sflag:s22] =	ssyncadd.s32 $0xFFFFE800  }
0x37: {  	s26 =	sshrl.u32 s24, $0x1;
	_ =	swait.ge [sflag:s22], $0x1800  }
0x38: {  	s24 =	ssub.s32 s24, s26;
	[sflag:s22] =	ssyncset.done $0x0  }
0x39: {  	s24 =	smax.u32 s24, $0x1;
	[sflag:s22] =	ssyncadd.s32 $0xFFFFE800  }
0x3a: {  	s25 =	smul.u32 $0x1200, s25;
	p0 =	sne.s32 s24, $0x1;
	_ =	swait.ge [sflag:s22], $0x1800  }
.Ltmp0:
0x3b: {  	[sflag:s22] =	ssyncset.done $0x0;
	(pc) =	sbr.rel @!p0 .LBB2_2-.Ltmp0, $4  }
0x3c: {  	s23 =	sadd.s32 s23, s25;
	[sflag:s22] =	ssyncadd.s32 $0xFFFFE800  }
0x3d: {  	[hbm4b:s23+s3] =	stream.linear.scatter [tilespmem:s16], [sflag:$0x2], $0x9000, $0x38;
	[tilespmem:$0x9240] =	vst v63  }
0x3e: {  	_ =	swait.ge [sflag:s4], $0x9000  }
0x3f: {  	s24 =	sadd.s32 $0xFFFFFFFF, s24;
	[sflag:s4] =	ssyncset.done $0x0  }
.LBB2_1:
0x40: {  	p0 =	sne.s32 s24, $0x1;
	s24 =	sadd.s32 $0xFFFFFFFF, s24;
	[sflag:s4] =	ssyncadd.s32 $0xFFFF7000  }
0x41: {  	[tilespmem:s3], [sflag:$0x2] =	stream.linear.gather [hbm4b:s5+s3], $0x60, $0x38;
	[tilespmem:$0x9240] =	vst v63  }
0x42: {  	_ =	swait.ge [sflag:s4], $0x60  }
0x43: {  	[sflag:s4] =	ssyncset.done $0x0  }
0x44: {  	[sflag:s4] =	ssyncadd.s32 $0xFFFFFFA0  }
0x45: {  	[tilespmem:s7], [sflag:$0x2] =	stream.linear.gather [hbm4b:s6+s3], $0x60, $0x38;
	[tilespmem:$0x9240] =	vst v63  }
0x46: {  	_ =	swait.ge [sflag:s4], $0x60  }
0x47: {  	[sflag:s4] =	ssyncset.done $0x0  }
0x48: {  	[sflag:s4] =	ssyncadd.s32 $0xFFFFFFA0  }
0x49: {  	[tilespmem:s9], [sflag:$0x2] =	stream.linear.gather [hbm4b:s8+s3], $0x60, $0x38;
	[tilespmem:$0x9240] =	vst v63  }
0x4a: {  	_ =	swait.ge [sflag:s4], $0x60  }
0x4b: {  	[sflag:s4] =	ssyncset.done $0x0  }
0x4c: {  	[sflag:s4] =	ssyncadd.s32 $0xFFFFFFA0  }
0x4d: {  	[tilespmem:s11], [sflag:$0x2] =	stream.linear.gather [hbm4b:s10+s3], $0x60, $0x38;
	[tilespmem:$0x9240] =	vst v63  }
0x4e: {  	_ =	swait.ge [sflag:s4], $0x60  }
0x4f: {  	[sflag:s4] =	ssyncset.done $0x0  }
0x50: {  	[sflag:s4] =	ssyncadd.s32 $0xFFFFFFA0  }
0x51: {  	[tilespmem:s13], [sflag:$0x2] =	stream.linear.gather [hbm4b:s12+s3], $0x60, $0x38;
	[tilespmem:$0x9240] =	vst v63  }
0x52: {  	_ =	swait.ge [sflag:s4], $0x60  }
0x53: {  	[sflag:s4] =	ssyncset.done $0x0  }
0x54: {  	[sflag:s4] =	ssyncadd.s32 $0xFFFFFFA0  }
0x55: {  	[tilespmem:s15], [sflag:$0x2] =	stream.linear.gather [hbm4b:s14+s3], $0x60, $0x38;
	[tilespmem:$0x9240] =	vst v63  }
0x56: {  	_ =	swait.ge [sflag:s4], $0x60  }
0x57: {  	[sflag:s4] =	ssyncset.done $0x0  }
0x58: {  	[sflag:s4] =	ssyncadd.s32 $0xFFFFFFA0  }
0x59: {  	[tilespmem:s16], [sflag:$0x1] =	stream.indirect.gather [hbm4b:s2+s7], $0x40, s3, s7, $0xb8;
	[tilespmem:$0x9240] =	vst v63  }
0x5a: {  	_ = 	snop  }
0x5b: {  	[tilespmem:s17], [sflag:$0x1] =	stream.indirect.gather [hbm4b:s2+s7], $0x40, s7, s7, $0xb8;
	[tilespmem:$0x9240] =	vst v63  }
0x5c: {  	_ = 	snop  }
0x5d: {  	[tilespmem:s18], [sflag:$0x1] =	stream.indirect.gather [hbm4b:s2+s7], $0x40, s9, s7, $0xb8;
	[tilespmem:$0x9240] =	vst v63  }
0x5e: {  	_ = 	snop  }
0x5f: {  	[tilespmem:s19], [sflag:$0x1] =	stream.indirect.gather [hbm4b:s2+s7], $0x40, s11, s7, $0xb8;
	[tilespmem:$0x9240] =	vst v63  }
0x60: {  	_ = 	snop  }
0x61: {  	[tilespmem:s20], [sflag:$0x1] =	stream.indirect.gather [hbm4b:s2+s7], $0x40, s13, s7, $0xb8;
	[tilespmem:$0x9240] =	vst v63  }
0x62: {  	_ = 	snop  }
0x63: {  	[tilespmem:s21], [sflag:$0x1] =	stream.indirect.gather [hbm4b:s2+s7], $0x40, s15, s7, $0xb8;
	[tilespmem:$0x9240] =	vst v63  }
0x64: {  	_ =	swait.ge [sflag:s22], $0x1800  }
0x65: {  	[sflag:s22] =	ssyncset.done $0x0  }
0x66: {  	[sflag:s22] =	ssyncadd.s32 $0xFFFFE800  }
0x67: {  	_ =	swait.ge [sflag:s22], $0x1800  }
0x68: {  	[sflag:s22] =	ssyncset.done $0x0  }
0x69: {  	[sflag:s22] =	ssyncadd.s32 $0xFFFFE800  }
0x6a: {  	_ =	swait.ge [sflag:s22], $0x1800  }
0x6b: {  	[sflag:s22] =	ssyncset.done $0x0  }
0x6c: {  	[sflag:s22] =	ssyncadd.s32 $0xFFFFE800  }
0x6d: {  	_ =	swait.ge [sflag:s22], $0x1800  }
0x6e: {  	[sflag:s22] =	ssyncset.done $0x0  }
0x6f: {  	[sflag:s22] =	ssyncadd.s32 $0xFFFFE800  }
0x70: {  	_ =	swait.ge [sflag:s22], $0x1800  }
0x71: {  	[sflag:s22] =	ssyncset.done $0x0  }
0x72: {  	[sflag:s22] =	ssyncadd.s32 $0xFFFFE800  }
0x73: {  	_ =	swait.ge [sflag:s22], $0x1800  }
.Ltmp1:
0x74: {  	[sflag:s22] =	ssyncset.done $0x0;
	(pc) =	sbr.rel @p0 .LBB2_1-.Ltmp1, $4  }
0x75: {  	[sflag:s22] =	ssyncadd.s32 $0xFFFFE800  }
0x76: {  	[hbm4b:s23+s3] =	stream.linear.scatter [tilespmem:s16], [sflag:$0x2], $0x9000, $0x38;
	[tilespmem:$0x9240] =	vst v63  }
0x77: {  	_ =	swait.ge [sflag:s4], $0x9000  }
0x78: {  	[sflag:s4] =	ssyncset.done $0x0  }
.LBB2_2:
0x79: {  	[sflag:s4] =	ssyncadd.s32 $0xFFFF7000  }
0x7a: {  	_ =	sfence.sel $0x180000  }
0x7b: {  	[bflag:$0x0] =	sbarrier.arrive $0xFFFF  }
0x7c: {  	p0 =	sne.s32 s0, $0x0;
	_ =	strace $0x90000047  }
0x7d: {  	s0 =	sadd.s32 @!p0 $0x100000, s1;
	[bflag:$0x2] =	sbarrier.arrive $0xFFFF  }
0x7e: {  	[sflag:s0] =	ssyncadd.tile.s32 @!p0 $0x1;
	_ =	shalt  }
.Lfunc_end2:
_tile_overlayer_lowered:
.L_overlay_start_2:
0x7f: {  	(tag) =	ssettag $0x2  }
0x80: {  	s0 =	rddreg [dreg:$0x0];
	s2 =	stileid.u32  }
0x81: {  	s1 =	rddreg [dreg:$0x1];
	p0 =	sne.s32 s2, $0x0  }
0x82: {  	s3 =	rddreg [dreg:$0x2];
	[bflag:$0x3] =	sbarrier.arrive $0xFFFF;
	s2 =	simm.s32 @!p0 $0x1C02  }
0x83: {  	[timem:s3], [sflag:s2] =	dma.local @!p0 [hbm:s0], s1  }
0x84: {  	s0 =	simm.s32 @!p0 $0x2  }
0x85: {  	_ =	swait.ge @!p0 [sflag:s0], s1  }
0x86: {  	s1 =	ssub.s32 @!p0 $0x0, s1;
	[sflag:s0] =	ssyncset.done @!p0 $0x0  }
0x87: {  	[sflag:s0] =	ssyncadd.s32 @!p0 s1  }
0x88: {  	[bflag:$0x3] =	sbarrier.arrive $0xFFFF  }
0x89: {  	_ =	shalt  }

</sc_bundles>
